<compile_context>
chip_gen: v7x
topology: tpu7x:2x2x1
jax: 0.10.2.dev20260603
libtpu: 0.0.44.dev20260713+nightly
codegen_flags: <defaults>
</compile_context>

<pallas_src>
import functools

import jax
import jax.numpy as jnp
from jax import lax
from jax.experimental import pallas as pl
from jax.experimental.pallas import tpu as pltpu
from jax.experimental.pallas import tpu_sc as plsc

_N = 8388608
_TOTAL = 4 * _N
_NC = 2
_NS = 16
_L = 16
_NW = _NC * _NS
_WPW = _TOTAL // _NW
_BUF = 32768
_NITER = _WPW // _BUF
_BLKS = _BUF // 256
_EPB = _BUF // 4
_EPW = _N // _NW

_mesh = plsc.VectorSubcoreMesh(core_axis_name="c", subcore_axis_name="s")


@functools.partial(
    pl.kernel,
    mesh=_mesh,
    compiler_params=pltpu.CompilerParams(needs_layout_passes=False),
    out_type=[
        jax.ShapeDtypeStruct((_NW, _L), jnp.float32),
        jax.ShapeDtypeStruct((_NW, _L), jnp.int32),
    ],
    scratch_types=[
        pltpu.VMEM((_BUF,), jnp.float32),
        pltpu.VMEM((_BUF,), jnp.float32),
        pltpu.VMEM((_L,), jnp.float32),
        pltpu.VMEM((_L,), jnp.int32),
        pltpu.SemaphoreType.DMA,
        pltpu.SemaphoreType.DMA,
    ],
)
def _phase1(x_hbm, minv_hbm, mini_hbm, buf0, buf1, vout, iout, sem0, sem1):
    wid = lax.axis_index("s") * _NC + lax.axis_index("c")
    wbase = wid * _WPW
    bufs = (buf0, buf1)
    sems = (sem0, sem1)
    lane = lax.iota(jnp.int32, _L)
    iv_re = [32 * a + 2 * lane for a in range(4)]
    iv_im = [32 * a + 128 + 2 * lane for a in range(4)]
    cv = [16 * a + lane for a in range(4)]

    for b in range(2):
        pltpu.async_copy(
            x_hbm.at[pl.ds(wbase + b * _BUF, _BUF)], bufs[b], sems[b]
        )

    inf = jnp.full((_L,), jnp.inf, jnp.float32)
    zero = jnp.zeros((_L,), jnp.int32)

    def outer(g, carry):
        gmin, gidx = carry
        for b in range(2):
            it = g * 2 + b
            pltpu.make_async_copy(
                x_hbm.at[pl.ds(0, _BUF)], bufs[b], sems[b]
            ).wait()
            ebase = wid * _EPW + it * _EPB

            def scan_min(j, bms, b=b):
                out = []
                for u in range(2):
                    blk = bufs[b].at[pl.ds((j * 2 + u) * 256, 256)]
                    for a in range(4):
                        re = plsc.load_gather(blk, [iv_re[a]])
                        im = plsc.load_gather(blk, [iv_im[a]])
                        m = jnp.abs(re) + jnp.abs(im)
                        k = u * 4 + a
                        out.append(jnp.minimum(bms[k], m))
                return tuple(out)

            bms = lax.fori_loop(0, _BLKS // 2, scan_min, (inf,) * 8)
            bmin = jnp.minimum(
                jnp.minimum(jnp.minimum(bms[0], bms[1]),
                            jnp.minimum(bms[2], bms[3])),
                jnp.minimum(jnp.minimum(bms[4], bms[5]),
                            jnp.minimum(bms[6], bms[7])),
            )
            s = jnp.min(bmin)

            def improve(args, b=b, ebase=ebase):
                s, _, _ = args

                def scan_idx(j, c, b=b, ebase=ebase):
                    rm, ri = c
                    blk = bufs[b].at[pl.ds(j * 256, 256)]
                    cb = ebase + j * 64
                    for a in range(4):
                        re = plsc.load_gather(blk, [iv_re[a]])
                        im = plsc.load_gather(blk, [iv_im[a]])
                        m = jnp.abs(re) + jnp.abs(im)
                        ci = cb + cv[a]
                        pred = m < rm
                        rm = jnp.where(pred, m, rm)
                        ri = jnp.where(pred, ci, ri)
                    return rm, ri

                rm, ri = lax.fori_loop(0, _BLKS, scan_idx, (inf, zero))
                cand = jnp.where(rm == s, ri, jnp.int32(2147483647))
                return s, jnp.min(cand)

            gmin, gidx = lax.cond(
                s < gmin,
                improve,
                lambda args: (args[1], args[2]),
                (s, gmin, gidx),
            )

            nxt = it + 2

            @pl.when(nxt < _NITER)
            def _(b=b, nxt=nxt):
                pltpu.async_copy(
                    x_hbm.at[pl.ds(wbase + nxt * _BUF, _BUF)], bufs[b], sems[b]
                )

        return gmin, gidx

    gmin, gidx = lax.fori_loop(
        0, _NITER // 2, outer, (jnp.float32(jnp.inf), jnp.int32(0))
    )
    vout[...] = jnp.broadcast_to(gmin, (_L,))
    iout[...] = jnp.broadcast_to(gidx, (_L,))
    pltpu.sync_copy(vout, minv_hbm.at[wid])
    pltpu.sync_copy(iout, mini_hbm.at[wid])


@functools.partial(
    pl.kernel,
    mesh=_mesh,
    compiler_params=pltpu.CompilerParams(needs_layout_passes=False),
    out_type=jax.ShapeDtypeStruct((_L,), jnp.int32),
    scratch_types=[
        pltpu.VMEM((_NW, _L), jnp.float32),
        pltpu.VMEM((_NW, _L), jnp.int32),
        pltpu.VMEM((_L,), jnp.int32),
    ],
)
def _phase2(minv_hbm, mini_hbm, out_hbm, vals, idxs, obuf):
    wid = lax.axis_index("s") * _NC + lax.axis_index("c")

    @pl.when(wid == 0)
    def _():
        pltpu.sync_copy(minv_hbm, vals)
        pltpu.sync_copy(mini_hbm, idxs)

        def body(k, c):
            rm, ri = c
            v = vals[k]
            i = idxs[k]
            pred = v < rm
            return jnp.where(pred, v, rm), jnp.where(pred, i, ri)

        rm, ri = lax.fori_loop(1, _NW, body, (vals[0], idxs[0]))
        mv = jnp.min(rm)
        cand = jnp.where(rm == mv, ri, jnp.int32(2147483647))
        best = jnp.min(cand)
        obuf[...] = jnp.broadcast_to(best * 2 + 1, (_L,))
        pltpu.sync_copy(obuf, out_hbm)


def kernel(x):
    flat = x.reshape(_TOTAL // 256, 128, 2).transpose(0, 2, 1).reshape(_TOTAL)
    minv, mini = _phase1(flat)
    out = _phase2(minv, mini)
    return out[0]

# --- scband reference (transcript-rebuilt; emitter-appended) ---
"""Pipeline reference for scband-model-60713657697066 (READ-ONLY COPY).

The authoritative reference and input builder live on the scoring server;
editing this copy changes nothing except your own understanding.
"""

import jax, jax.numpy as jnp
import numpy as np

N = 8388608
INCX = 2
XLEN = N * INCX


def setup_inputs(seed: int = 0) -> dict:
    key = jax.random.key(seed)
    # float32[XLEN, 2]: column 0 = real part, column 1 = imag part of a complex64 vector
    x = jax.random.normal(key, (XLEN, 2), dtype=jnp.float32)
    return {"x": x}


def reference(x):
    # Faithful translation of the torch module (icamin semantics):
    # select n elements with stride incx, compute |real| + |imag|,
    # find argmin, return 1-based index in the ORIGINAL (unstrided) array.
    if INCX == 1:
        indices = jnp.arange(0, N, dtype=jnp.int32)
        sliced = x[:N]
    else:
        indices = (jnp.arange(0, N, dtype=jnp.int32) * INCX)
        sliced = jnp.take(x, indices, axis=0)  # strided gather
    abs_real_imag = jnp.abs(sliced[:, 0]) + jnp.abs(sliced[:, 1])
    argmin_idx_in_sliced = jnp.argmin(abs_real_imag)
    golden_0_based_idx = indices[argmin_idx_in_sliced]
    golden = golden_0_based_idx + 1
    return golden.astype(jnp.int32)

if __name__ == "__main__":
    import jax
    _d = setup_inputs()
    print(jax.jit(kernel)(*tuple(_d.values())))

</pallas_src>

<mosaic_0001>
#map = affine_map<(d0, d1) -> (0, 0)>
#map1 = affine_map<(d0, d1) -> (0)>
module attributes {stable_mosaic.version = 14 : i64} {
  func.func @_phase2(%arg0: i32, %arg1: i32, %arg2: memref<32x16xf32, #tpu.memory_space<hbm>>, %arg3: memref<32x16xi32, #tpu.memory_space<hbm>>, %arg4: memref<16xi32, #tpu.memory_space<hbm>>, %arg5: memref<32x16xf32, #tpu.memory_space<vmem>>, %arg6: memref<32x16xi32, #tpu.memory_space<vmem>>, %arg7: memref<16xi32, #tpu.memory_space<vmem>>) attributes {dimension_semantics = [#tpu.dimension_semantics<core_parallel>, #tpu.dimension_semantics<subcore_parallel>], iteration_bounds = array<i64: 2, 16>, scalar_prefetch = 0 : i64, scratch_operands = 3 : i64, tpu.core_type = #tpu.core_type<sc_vector_subcore>, window_params = [{transform_indices = #map}, {transform_indices = #map}, {transform_indices = #map1}]} {
    %mul3A = arith.constant 2 : i32
    %mul3A_0 = arith.muli %arg1, %mul3A : i32
    %add3A = arith.addi %mul3A_0, %arg0 : i32
    %eq3A = arith.constant 0 : i32
    %eq3A_1 = arith.cmpi eq, %add3A, %eq3A : i32
    %convert_element_type3A = arith.extui %eq3A_1 : i1 to i32
    %cond3A = arith.constant 0 : i32
    %cond3A_2 = arith.cmpi ne, %convert_element_type3A, %cond3A : i32
    scf.if %cond3A_2 {
      "tpu.region"() ({
        %run_scoped3A = tpu.sem_alloc : memref<!tpu.dma_semaphore, #tpu.memory_space<semaphore_mem>>
        tpu.enqueue_dma source(%arg2 : memref<32x16xf32, #tpu.memory_space<hbm>>) target(%arg5 : memref<32x16xf32, #tpu.memory_space<vmem>>) target_semaphore(%run_scoped3A : memref<!tpu.dma_semaphore, #tpu.memory_space<semaphore_mem>>)
        tpu.wait_dma2 semaphore(%run_scoped3A : memref<!tpu.dma_semaphore, #tpu.memory_space<semaphore_mem>>) src(%arg2 : memref<32x16xf32, #tpu.memory_space<hbm>>) dst(%arg5 : memref<32x16xf32, #tpu.memory_space<vmem>>)
        tpu.yield
      }) : () -> ()
      "tpu.region"() ({
        %run_scoped3A = tpu.sem_alloc : memref<!tpu.dma_semaphore, #tpu.memory_space<semaphore_mem>>
        tpu.enqueue_dma source(%arg3 : memref<32x16xi32, #tpu.memory_space<hbm>>) target(%arg6 : memref<32x16xi32, #tpu.memory_space<vmem>>) target_semaphore(%run_scoped3A : memref<!tpu.dma_semaphore, #tpu.memory_space<semaphore_mem>>)
        tpu.wait_dma2 semaphore(%run_scoped3A : memref<!tpu.dma_semaphore, #tpu.memory_space<semaphore_mem>>) src(%arg3 : memref<32x16xi32, #tpu.memory_space<hbm>>) dst(%arg6 : memref<32x16xi32, #tpu.memory_space<vmem>>)
        tpu.yield
      }) : () -> ()
      %get3A = arith.constant 0 : i32
      %get3A_3 = arith.index_cast %get3A : i32 to index
      %get3A_4 = arith.constant 0 : index
      %get3A_5 = tpu.vector_load %arg5[%get3A_3, %get3A_4] {strides = array<i32>} : memref<32x16xf32, #tpu.memory_space<vmem>>, vector<16xf32>,
      %get3A_6 = arith.constant 0 : i32
      %get3A_7 = arith.index_cast %get3A_6 : i32 to index
      %get3A_8 = arith.constant 0 : index
      %get3A_9 = tpu.vector_load %arg6[%get3A_7, %get3A_8] {strides = array<i32>} : memref<32x16xi32, #tpu.memory_space<vmem>>, vector<16xi32>,
      %scan3A = arith.constant 1 : i32
      %scan3A_10 = arith.constant 31 : i32
      %scan3A_11 = arith.addi %scan3A, %scan3A_10 : i32
      %scan3A_12 = arith.constant 1 : i32
      %scan3A_13:2 = scf.for %scan3A_34 = %scan3A to %scan3A_11 step %scan3A_12 iter_args(%scan3A_35 = %get3A_5, %scan3A_36 = %get3A_9) -> (vector<16xf32>, vector<16xi32>)  : i32 {
        %get3A_37 = arith.index_cast %scan3A_34 : i32 to index
        %get3A_38 = arith.constant 0 : index
        %get3A_39 = tpu.vector_load %arg5[%get3A_37, %get3A_38] {strides = array<i32>} : memref<32x16xf32, #tpu.memory_space<vmem>>, vector<16xf32>,
        %get3A_40 = arith.index_cast %scan3A_34 : i32 to index
        %get3A_41 = arith.constant 0 : index
        %get3A_42 = tpu.vector_load %arg6[%get3A_40, %get3A_41] {strides = array<i32>} : memref<32x16xi32, #tpu.memory_space<vmem>>, vector<16xi32>,
        %lt3A = arith.cmpf olt, %get3A_39, %scan3A_35 : vector<16xf32>
        %select_n3A_43 = arith.select %lt3A, %get3A_39, %scan3A_35 : vector<16xi1>, vector<16xf32>
        %select_n3A_44 = arith.select %lt3A, %get3A_42, %scan3A_36 : vector<16xi1>, vector<16xi32>
        scf.yield %select_n3A_43, %select_n3A_44 : vector<16xf32>, vector<16xi32>
      }
      %scan3A_14 = arith.constant 31 : i32
      %reduce_min3A = arith.constant true
      %reduce_min3A_15 = vector.broadcast %reduce_min3A : i1 to vector<16xi1>
      %reduce_min3A_16 = tpu.scan <min>, %scan3A_13#0 masked %reduce_min3A_15 : vector<16xf32>, vector<16xi1> -> vector<16xf32>
      %reduce_min3A_17 = vector.extract %reduce_min3A_16[15] : f32 from vector<16xf32>
      %eq3A_18 = vector.broadcast %reduce_min3A_17 : f32 to vector<16xf32>
      %eq3A_19 = arith.cmpf oeq, %scan3A_13#0, %eq3A_18 : vector<16xf32>
      %jit3A = arith.constant 2147483647 : i32
      %broadcast_in_dim3A = vector.broadcast %jit3A : i32 to vector<16xi32>
      %select_n3A = arith.select %eq3A_19, %scan3A_13#1, %broadcast_in_dim3A : vector<16xi1>, vector<16xi32>
      %reduce_min3A_20 = arith.constant true
      %reduce_min3A_21 = vector.broadcast %reduce_min3A_20 : i1 to vector<16xi1>
      %reduce_min3A_22 = arith.constant -2147483648 : i32
      %reduce_min3A_23 = vector.broadcast %reduce_min3A_22 : i32 to vector<16xi32>
      %reduce_min3A_24 = arith.xori %select_n3A, %reduce_min3A_23 : vector<16xi32>
      %reduce_min3A_25 = tpu.scan <min>, %reduce_min3A_24 masked %reduce_min3A_21 : vector<16xi32>, vector<16xi1> -> vector<16xi32>
      %reduce_min3A_26 = arith.xori %reduce_min3A_25, %reduce_min3A_23 : vector<16xi32>
      %reduce_min3A_27 = vector.extract %reduce_min3A_26[15] : i32 from vector<16xi32>
      %mul3A_28 = arith.constant 2 : i32
      %mul3A_29 = arith.muli %reduce_min3A_27, %mul3A_28 : i32
      %add3A_30 = arith.constant 1 : i32
      %add3A_31 = arith.addi %mul3A_29, %add3A_30 : i32
      %broadcast_in_dim3A_32 = vector.broadcast %add3A_31 : i32 to vector<16xi32>
      %swap3A = arith.constant 0 : index
      %swap3A_33 = tpu.vector_load %arg7[%swap3A] {strides = array<i32>} : memref<16xi32, #tpu.memory_space<vmem>>, vector<16xi32>,
      tpu.vector_store %arg7[%swap3A], %broadcast_in_dim3A_32 {strides = array<i32>} : memref<16xi32, #tpu.memory_space<vmem>>, vector<16xi32>,
      "tpu.region"() ({
        %run_scoped3A = tpu.sem_alloc : memref<!tpu.dma_semaphore, #tpu.memory_space<semaphore_mem>>
        tpu.enqueue_dma source(%arg7 : memref<16xi32, #tpu.memory_space<vmem>>) target(%arg4 : memref<16xi32, #tpu.memory_space<hbm>>) target_semaphore(%run_scoped3A : memref<!tpu.dma_semaphore, #tpu.memory_space<semaphore_mem>>)
        tpu.wait_dma2 semaphore(%run_scoped3A : memref<!tpu.dma_semaphore, #tpu.memory_space<semaphore_mem>>) src(%arg7 : memref<16xi32, #tpu.memory_space<vmem>>) dst(%arg4 : memref<16xi32, #tpu.memory_space<hbm>>)
        tpu.yield
      }) : () -> ()
    } else {
    }
    return
  }
}

#map = affine_map<(d0, d1) -> (0)>
#map1 = affine_map<(d0, d1) -> (0, 0)>
module attributes {stable_mosaic.version = 14 : i64} {
  func.func @_phase1(%arg0: i32, %arg1: i32, %arg2: memref<33554432xf32, #tpu.memory_space<hbm>>, %arg3: memref<32x16xf32, #tpu.memory_space<hbm>>, %arg4: memref<32x16xi32, #tpu.memory_space<hbm>>, %arg5: memref<32768xf32, #tpu.memory_space<vmem>>, %arg6: memref<32768xf32, #tpu.memory_space<vmem>>, %arg7: memref<16xf32, #tpu.memory_space<vmem>>, %arg8: memref<16xi32, #tpu.memory_space<vmem>>, %arg9: memref<!tpu.dma_semaphore, #tpu.memory_space<semaphore_mem>>, %arg10: memref<!tpu.dma_semaphore, #tpu.memory_space<semaphore_mem>>) attributes {dimension_semantics = [#tpu.dimension_semantics<core_parallel>, #tpu.dimension_semantics<subcore_parallel>], iteration_bounds = array<i64: 2, 16>, scalar_prefetch = 0 : i64, scratch_operands = 6 : i64, tpu.core_type = #tpu.core_type<sc_vector_subcore>, window_params = [{transform_indices = #map}, {transform_indices = #map1}, {transform_indices = #map1}]} {
    %mul3A = arith.constant 2 : i32
    %mul3A_0 = arith.muli %arg1, %mul3A : i32
    %add3A = arith.addi %mul3A_0, %arg0 : i32
    %mul3A_1 = arith.constant 1048576 : i32
    %mul3A_2 = arith.muli %add3A, %mul3A_1 : i32
    %iota3A = tpu.iota {dimensions = array<i32: 0>} : vector<16xi32>
    %mul3A_3 = arith.constant 2 : i32
    %mul3A_4 = vector.broadcast %mul3A_3 : i32 to vector<16xi32>
    %mul3A_5 = arith.muli %mul3A_4, %iota3A : vector<16xi32>
    %add3A_6 = arith.constant 0 : i32
    %add3A_7 = vector.broadcast %add3A_6 : i32 to vector<16xi32>
    %add3A_8 = arith.addi %add3A_7, %mul3A_5 : vector<16xi32>
    %mul3A_9 = arith.constant 2 : i32
    %mul3A_10 = vector.broadcast %mul3A_9 : i32 to vector<16xi32>
    %mul3A_11 = arith.muli %mul3A_10, %iota3A : vector<16xi32>
    %add3A_12 = arith.constant 32 : i32
    %add3A_13 = vector.broadcast %add3A_12 : i32 to vector<16xi32>
    %add3A_14 = arith.addi %add3A_13, %mul3A_11 : vector<16xi32>
    %mul3A_15 = arith.constant 2 : i32
    %mul3A_16 = vector.broadcast %mul3A_15 : i32 to vector<16xi32>
    %mul3A_17 = arith.muli %mul3A_16, %iota3A : vector<16xi32>
    %add3A_18 = arith.constant 64 : i32
    %add3A_19 = vector.broadcast %add3A_18 : i32 to vector<16xi32>
    %add3A_20 = arith.addi %add3A_19, %mul3A_17 : vector<16xi32>
    %mul3A_21 = arith.constant 2 : i32
    %mul3A_22 = vector.broadcast %mul3A_21 : i32 to vector<16xi32>
    %mul3A_23 = arith.muli %mul3A_22, %iota3A : vector<16xi32>
    %add3A_24 = arith.constant 96 : i32
    %add3A_25 = vector.broadcast %add3A_24 : i32 to vector<16xi32>
    %add3A_26 = arith.addi %add3A_25, %mul3A_23 : vector<16xi32>
    %mul3A_27 = arith.constant 2 : i32
    %mul3A_28 = vector.broadcast %mul3A_27 : i32 to vector<16xi32>
    %mul3A_29 = arith.muli %mul3A_28, %iota3A : vector<16xi32>
    %add3A_30 = arith.constant 128 : i32
    %add3A_31 = vector.broadcast %add3A_30 : i32 to vector<16xi32>
    %add3A_32 = arith.addi %add3A_31, %mul3A_29 : vector<16xi32>
    %mul3A_33 = arith.constant 2 : i32
    %mul3A_34 = vector.broadcast %mul3A_33 : i32 to vector<16xi32>
    %mul3A_35 = arith.muli %mul3A_34, %iota3A : vector<16xi32>
    %add3A_36 = arith.constant 160 : i32
    %add3A_37 = vector.broadcast %add3A_36 : i32 to vector<16xi32>
    %add3A_38 = arith.addi %add3A_37, %mul3A_35 : vector<16xi32>
    %mul3A_39 = arith.constant 2 : i32
    %mul3A_40 = vector.broadcast %mul3A_39 : i32 to vector<16xi32>
    %mul3A_41 = arith.muli %mul3A_40, %iota3A : vector<16xi32>
    %add3A_42 = arith.constant 192 : i32
    %add3A_43 = vector.broadcast %add3A_42 : i32 to vector<16xi32>
    %add3A_44 = arith.addi %add3A_43, %mul3A_41 : vector<16xi32>
    %mul3A_45 = arith.constant 2 : i32
    %mul3A_46 = vector.broadcast %mul3A_45 : i32 to vector<16xi32>
    %mul3A_47 = arith.muli %mul3A_46, %iota3A : vector<16xi32>
    %add3A_48 = arith.constant 224 : i32
    %add3A_49 = vector.broadcast %add3A_48 : i32 to vector<16xi32>
    %add3A_50 = arith.addi %add3A_49, %mul3A_47 : vector<16xi32>
    %add3A_51 = arith.constant 0 : i32
    %add3A_52 = vector.broadcast %add3A_51 : i32 to vector<16xi32>
    %add3A_53 = arith.addi %add3A_52, %iota3A : vector<16xi32>
    %add3A_54 = arith.constant 16 : i32
    %add3A_55 = vector.broadcast %add3A_54 : i32 to vector<16xi32>
    %add3A_56 = arith.addi %add3A_55, %iota3A : vector<16xi32>
    %add3A_57 = arith.constant 32 : i32
    %add3A_58 = vector.broadcast %add3A_57 : i32 to vector<16xi32>
    %add3A_59 = arith.addi %add3A_58, %iota3A : vector<16xi32>
    %add3A_60 = arith.constant 48 : i32
    %add3A_61 = vector.broadcast %add3A_60 : i32 to vector<16xi32>
    %add3A_62 = arith.addi %add3A_61, %iota3A : vector<16xi32>
    %add3A_63 = arith.constant 0 : i32
    %add3A_64 = arith.addi %mul3A_2, %add3A_63 : i32
    %dma_start3A = tpu.memref_slice %arg2[%add3A_64] : memref<33554432xf32, #tpu.memory_space<hbm>> -> memref<32768xf32, #tpu.memory_space<hbm>>
    %dma_start3A_65 = tpu.memref_slice %arg2[%add3A_64] : memref<33554432xf32, #tpu.memory_space<hbm>> -> memref<32768xf32, #tpu.memory_space<hbm>>
    tpu.enqueue_dma source(%dma_start3A_65 : memref<32768xf32, #tpu.memory_space<hbm>>) target(%arg5 : memref<32768xf32, #tpu.memory_space<vmem>>) target_semaphore(%arg9 : memref<!tpu.dma_semaphore, #tpu.memory_space<semaphore_mem>>)
    %add3A_66 = arith.constant 32768 : i32
    %add3A_67 = arith.addi %mul3A_2, %add3A_66 : i32
    %dma_start3A_68 = tpu.memref_slice %arg2[%add3A_67] : memref<33554432xf32, #tpu.memory_space<hbm>> -> memref<32768xf32, #tpu.memory_space<hbm>>
    %dma_start3A_69 = tpu.memref_slice %arg2[%add3A_67] : memref<33554432xf32, #tpu.memory_space<hbm>> -> memref<32768xf32, #tpu.memory_space<hbm>>
    tpu.enqueue_dma source(%dma_start3A_69 : memref<32768xf32, #tpu.memory_space<hbm>>) target(%arg6 : memref<32768xf32, #tpu.memory_space<vmem>>) target_semaphore(%arg10 : memref<!tpu.dma_semaphore, #tpu.memory_space<semaphore_mem>>)
    %broadcast_in_dim3A = arith.constant 0x7F800000 : f32
    %broadcast_in_dim3A_70 = vector.broadcast %broadcast_in_dim3A : f32 to vector<16xf32>
    %broadcast_in_dim3A_71 = arith.constant 0 : i32
    %broadcast_in_dim3A_72 = vector.broadcast %broadcast_in_dim3A_71 : i32 to vector<16xi32>
    %scan3A = arith.constant 0x7F800000 : f32
    %scan3A_73 = arith.constant 0 : i32
    %scan3A_74 = arith.constant 0 : i32
    %scan3A_75 = arith.constant 16 : i32
    %scan3A_76 = arith.addi %scan3A_74, %scan3A_75 : i32
    %scan3A_77 = arith.constant 1 : i32
    %scan3A_78:2 = scf.for %scan3A_85 = %scan3A_74 to %scan3A_76 step %scan3A_77 iter_args(%scan3A_86 = %scan3A, %scan3A_87 = %scan3A_73) -> (f32, i32)  : i32 {
      %mul3A_88 = arith.constant 2 : i32
      %mul3A_89 = arith.muli %scan3A_85, %mul3A_88 : i32
      %add3A_90 = arith.constant 0 : i32
      %add3A_91 = arith.addi %mul3A_89, %add3A_90 : i32
      %dma_wait3A = arith.constant 0 : i32
      %dma_wait3A_92 = tpu.memref_slice %arg2[%dma_wait3A] : memref<33554432xf32, #tpu.memory_space<hbm>> -> memref<32768xf32, #tpu.memory_space<hbm>>
      %dma_wait3A_93 = arith.constant 0 : i32
      %dma_wait3A_94 = tpu.memref_slice %arg2[%dma_wait3A_93] : memref<33554432xf32, #tpu.memory_space<hbm>> -> memref<32768xf32, #tpu.memory_space<hbm>>
      tpu.wait_dma2 semaphore(%arg9 : memref<!tpu.dma_semaphore, #tpu.memory_space<semaphore_mem>>) src(%dma_wait3A_94 : memref<32768xf32, #tpu.memory_space<hbm>>) dst(%arg5 : memref<32768xf32, #tpu.memory_space<vmem>>)
      %mul3A_95 = arith.constant 262144 : i32
      %mul3A_96 = arith.muli %add3A, %mul3A_95 : i32
      %mul3A_97 = arith.constant 8192 : i32
      %mul3A_98 = arith.muli %add3A_91, %mul3A_97 : i32
      %add3A_99 = arith.addi %mul3A_96, %mul3A_98 : i32
      %scan3A_100 = arith.constant 0 : i32
      %scan3A_101 = arith.constant 64 : i32
      %scan3A_102 = arith.addi %scan3A_100, %scan3A_101 : i32
      %scan3A_103 = arith.constant 1 : i32
      %scan3A_104:8 = scf.for %scan3A_166 = %scan3A_100 to %scan3A_102 step %scan3A_103 iter_args(%scan3A_167 = %broadcast_in_dim3A_70, %scan3A_168 = %broadcast_in_dim3A_70, %scan3A_169 = %broadcast_in_dim3A_70, %scan3A_170 = %broadcast_in_dim3A_70, %scan3A_171 = %broadcast_in_dim3A_70, %scan3A_172 = %broadcast_in_dim3A_70, %scan3A_173 = %broadcast_in_dim3A_70, %scan3A_174 = %broadcast_in_dim3A_70) -> (vector<16xf32>, vector<16xf32>, vector<16xf32>, vector<16xf32>, vector<16xf32>, vector<16xf32>, vector<16xf32>, vector<16xf32>)  : i32 {
        %mul3A_175 = arith.constant 2 : i32
        %mul3A_176 = arith.muli %scan3A_166, %mul3A_175 : i32
        %add3A_177 = arith.constant 0 : i32
        %add3A_178 = arith.addi %mul3A_176, %add3A_177 : i32
        %mul3A_179 = arith.constant 256 : i32
        %mul3A_180 = arith.muli %add3A_178, %mul3A_179 : i32
        %gather3A = tpu.memref_slice %arg5[%mul3A_180] : memref<32768xf32, #tpu.memory_space<vmem>> -> memref<256xf32, #tpu.memory_space<vmem>>
        %gather3A_181 = tpu.vector_load_idx %gather3A[%add3A_8] : memref<256xf32, #tpu.memory_space<vmem>>[vector<16xi32>], vector<16xf32>,
        %gather3A_182 = tpu.memref_slice %arg5[%mul3A_180] : memref<32768xf32, #tpu.memory_space<vmem>> -> memref<256xf32, #tpu.memory_space<vmem>>
        %gather3A_183 = tpu.vector_load_idx %gather3A_182[%add3A_32] : memref<256xf32, #tpu.memory_space<vmem>>[vector<16xi32>], vector<16xf32>,
        %abs3A = math.absf %gather3A_181 : vector<16xf32>
        %abs3A_184 = math.absf %gather3A_183 : vector<16xf32>
        %add3A_185 = arith.addf %abs3A, %abs3A_184 : vector<16xf32>
        %min3A_186 = arith.minimumf %scan3A_167, %add3A_185 : vector<16xf32>
        %gather3A_187 = tpu.memref_slice %arg5[%mul3A_180] : memref<32768xf32, #tpu.memory_space<vmem>> -> memref<256xf32, #tpu.memory_space<vmem>>
        %gather3A_188 = tpu.vector_load_idx %gather3A_187[%add3A_14] : memref<256xf32, #tpu.memory_space<vmem>>[vector<16xi32>], vector<16xf32>,
        %gather3A_189 = tpu.memref_slice %arg5[%mul3A_180] : memref<32768xf32, #tpu.memory_space<vmem>> -> memref<256xf32, #tpu.memory_space<vmem>>
        %gather3A_190 = tpu.vector_load_idx %gather3A_189[%add3A_38] : memref<256xf32, #tpu.memory_space<vmem>>[vector<16xi32>], vector<16xf32>,
        %abs3A_191 = math.absf %gather3A_188 : vector<16xf32>
        %abs3A_192 = math.absf %gather3A_190 : vector<16xf32>
        %add3A_193 = arith.addf %abs3A_191, %abs3A_192 : vector<16xf32>
        %min3A_194 = arith.minimumf %scan3A_168, %add3A_193 : vector<16xf32>
        %gather3A_195 = tpu.memref_slice %arg5[%mul3A_180] : memref<32768xf32, #tpu.memory_space<vmem>> -> memref<256xf32, #tpu.memory_space<vmem>>
        %gather3A_196 = tpu.vector_load_idx %gather3A_195[%add3A_20] : memref<256xf32, #tpu.memory_space<vmem>>[vector<16xi32>], vector<16xf32>,
        %gather3A_197 = tpu.memref_slice %arg5[%mul3A_180] : memref<32768xf32, #tpu.memory_space<vmem>> -> memref<256xf32, #tpu.memory_space<vmem>>
        %gather3A_198 = tpu.vector_load_idx %gather3A_197[%add3A_44] : memref<256xf32, #tpu.memory_space<vmem>>[vector<16xi32>], vector<16xf32>,
        %abs3A_199 = math.absf %gather3A_196 : vector<16xf32>
        %abs3A_200 = math.absf %gather3A_198 : vector<16xf32>
        %add3A_201 = arith.addf %abs3A_199, %abs3A_200 : vector<16xf32>
        %min3A_202 = arith.minimumf %scan3A_169, %add3A_201 : vector<16xf32>
        %gather3A_203 = tpu.memref_slice %arg5[%mul3A_180] : memref<32768xf32, #tpu.memory_space<vmem>> -> memref<256xf32, #tpu.memory_space<vmem>>
        %gather3A_204 = tpu.vector_load_idx %gather3A_203[%add3A_26] : memref<256xf32, #tpu.memory_space<vmem>>[vector<16xi32>], vector<16xf32>,
        %gather3A_205 = tpu.memref_slice %arg5[%mul3A_180] : memref<32768xf32, #tpu.memory_space<vmem>> -> memref<256xf32, #tpu.memory_space<vmem>>
        %gather3A_206 = tpu.vector_load_idx %gather3A_205[%add3A_50] : memref<256xf32, #tpu.memory_space<vmem>>[vector<16xi32>], vector<16xf32>,
        %abs3A_207 = math.absf %gather3A_204 : vector<16xf32>
        %abs3A_208 = math.absf %gather3A_206 : vector<16xf32>
        %add3A_209 = arith.addf %abs3A_207, %abs3A_208 : vector<16xf32>
        %min3A_210 = arith.minimumf %scan3A_170, %add3A_209 : vector<16xf32>
        %mul3A_211 = arith.constant 2 : i32
        %mul3A_212 = arith.muli %scan3A_166, %mul3A_211 : i32
        %add3A_213 = arith.constant 1 : i32
        %add3A_214 = arith.addi %mul3A_212, %add3A_213 : i32
        %mul3A_215 = arith.constant 256 : i32
        %mul3A_216 = arith.muli %add3A_214, %mul3A_215 : i32
        %gather3A_217 = tpu.memref_slice %arg5[%mul3A_216] : memref<32768xf32, #tpu.memory_space<vmem>> -> memref<256xf32, #tpu.memory_space<vmem>>
        %gather3A_218 = tpu.vector_load_idx %gather3A_217[%add3A_8] : memref<256xf32, #tpu.memory_space<vmem>>[vector<16xi32>], vector<16xf32>,
        %gather3A_219 = tpu.memref_slice %arg5[%mul3A_216] : memref<32768xf32, #tpu.memory_space<vmem>> -> memref<256xf32, #tpu.memory_space<vmem>>
        %gather3A_220 = tpu.vector_load_idx %gather3A_219[%add3A_32] : memref<256xf32, #tpu.memory_space<vmem>>[vector<16xi32>], vector<16xf32>,
        %abs3A_221 = math.absf %gather3A_218 : vector<16xf32>
        %abs3A_222 = math.absf %gather3A_220 : vector<16xf32>
        %add3A_223 = arith.addf %abs3A_221, %abs3A_222 : vector<16xf32>
        %min3A_224 = arith.minimumf %scan3A_171, %add3A_223 : vector<16xf32>
        %gather3A_225 = tpu.memref_slice %arg5[%mul3A_216] : memref<32768xf32, #tpu.memory_space<vmem>> -> memref<256xf32, #tpu.memory_space<vmem>>
        %gather3A_226 = tpu.vector_load_idx %gather3A_225[%add3A_14] : memref<256xf32, #tpu.memory_space<vmem>>[vector<16xi32>], vector<16xf32>,
        %gather3A_227 = tpu.memref_slice %arg5[%mul3A_216] : memref<32768xf32, #tpu.memory_space<vmem>> -> memref<256xf32, #tpu.memory_space<vmem>>
        %gather3A_228 = tpu.vector_load_idx %gather3A_227[%add3A_38] : memref<256xf32, #tpu.memory_space<vmem>>[vector<16xi32>], vector<16xf32>,
        %abs3A_229 = math.absf %gather3A_226 : vector<16xf32>
        %abs3A_230 = math.absf %gather3A_228 : vector<16xf32>
        %add3A_231 = arith.addf %abs3A_229, %abs3A_230 : vector<16xf32>
        %min3A_232 = arith.minimumf %scan3A_172, %add3A_231 : vector<16xf32>
        %gather3A_233 = tpu.memref_slice %arg5[%mul3A_216] : memref<32768xf32, #tpu.memory_space<vmem>> -> memref<256xf32, #tpu.memory_space<vmem>>
        %gather3A_234 = tpu.vector_load_idx %gather3A_233[%add3A_20] : memref<256xf32, #tpu.memory_space<vmem>>[vector<16xi32>], vector<16xf32>,
        %gather3A_235 = tpu.memref_slice %arg5[%mul3A_216] : memref<32768xf32, #tpu.memory_space<vmem>> -> memref<256xf32, #tpu.memory_space<vmem>>
        %gather3A_236 = tpu.vector_load_idx %gather3A_235[%add3A_44] : memref<256xf32, #tpu.memory_space<vmem>>[vector<16xi32>], vector<16xf32>,
        %abs3A_237 = math.absf %gather3A_234 : vector<16xf32>
        %abs3A_238 = math.absf %gather3A_236 : vector<16xf32>
        %add3A_239 = arith.addf %abs3A_237, %abs3A_238 : vector<16xf32>
        %min3A_240 = arith.minimumf %scan3A_173, %add3A_239 : vector<16xf32>
        %gather3A_241 = tpu.memref_slice %arg5[%mul3A_216] : memref<32768xf32, #tpu.memory_space<vmem>> -> memref<256xf32, #tpu.memory_space<vmem>>
        %gather3A_242 = tpu.vector_load_idx %gather3A_241[%add3A_26] : memref<256xf32, #tpu.memory_space<vmem>>[vector<16xi32>], vector<16xf32>,
        %gather3A_243 = tpu.memref_slice %arg5[%mul3A_216] : memref<32768xf32, #tpu.memory_space<vmem>> -> memref<256xf32, #tpu.memory_space<vmem>>
        %gather3A_244 = tpu.vector_load_idx %gather3A_243[%add3A_50] : memref<256xf32, #tpu.memory_space<vmem>>[vector<16xi32>], vector<16xf32>,
        %abs3A_245 = math.absf %gather3A_242 : vector<16xf32>
        %abs3A_246 = math.absf %gather3A_244 : vector<16xf32>
        %add3A_247 = arith.addf %abs3A_245, %abs3A_246 : vector<16xf32>
        %min3A_248 = arith.minimumf %scan3A_174, %add3A_247 : vector<16xf32>
        scf.yield %min3A_186, %min3A_194, %min3A_202, %min3A_210, %min3A_224, %min3A_232, %min3A_240, %min3A_248 : vector<16xf32>, vector<16xf32>, vector<16xf32>, vector<16xf32>, vector<16xf32>, vector<16xf32>, vector<16xf32>, vector<16xf32>
      }
      %scan3A_105 = arith.constant 64 : i32
      %min3A = arith.minimumf %scan3A_104#0, %scan3A_104#1 : vector<16xf32>
      %min3A_106 = arith.minimumf %scan3A_104#2, %scan3A_104#3 : vector<16xf32>
      %min3A_107 = arith.minimumf %min3A, %min3A_106 : vector<16xf32>
      %min3A_108 = arith.minimumf %scan3A_104#4, %scan3A_104#5 : vector<16xf32>
      %min3A_109 = arith.minimumf %scan3A_104#6, %scan3A_104#7 : vector<16xf32>
      %min3A_110 = arith.minimumf %min3A_108, %min3A_109 : vector<16xf32>
      %min3A_111 = arith.minimumf %min3A_107, %min3A_110 : vector<16xf32>
      %reduce_min3A = arith.constant true
      %reduce_min3A_112 = vector.broadcast %reduce_min3A : i1 to vector<16xi1>
      %reduce_min3A_113 = tpu.scan <min>, %min3A_111 masked %reduce_min3A_112 : vector<16xf32>, vector<16xi1> -> vector<16xf32>
      %reduce_min3A_114 = vector.extract %reduce_min3A_113[15] : f32 from vector<16xf32>
      %lt3A = arith.cmpf olt, %reduce_min3A_114, %scan3A_86 : f32
      %convert_element_type3A = arith.extui %lt3A : i1 to i32
      %cond3A = arith.constant 0 : i32
      %cond3A_115 = arith.cmpi ne, %convert_element_type3A, %cond3A : i32
      %cond3A_116:2 = scf.if %cond3A_115 -> (f32, i32) {
        %scan3A_166 = arith.constant 0 : i32
        %scan3A_167 = arith.constant 128 : i32
        %scan3A_168 = arith.addi %scan3A_166, %scan3A_167 : i32
        %scan3A_169 = arith.constant 1 : i32
        %scan3A_170:2 = scf.for %scan3A_182 = %scan3A_166 to %scan3A_168 step %scan3A_169 iter_args(%scan3A_183 = %broadcast_in_dim3A_70, %scan3A_184 = %broadcast_in_dim3A_72) -> (vector<16xf32>, vector<16xi32>)  : i32 {
          %mul3A_185 = arith.constant 256 : i32
          %mul3A_186 = arith.muli %scan3A_182, %mul3A_185 : i32
          %mul3A_187 = arith.constant 64 : i32
          %mul3A_188 = arith.muli %scan3A_182, %mul3A_187 : i32
          %add3A_189 = arith.addi %add3A_99, %mul3A_188 : i32
          %gather3A = tpu.memref_slice %arg5[%mul3A_186] : memref<32768xf32, #tpu.memory_space<vmem>> -> memref<256xf32, #tpu.memory_space<vmem>>
          %gather3A_190 = tpu.vector_load_idx %gather3A[%add3A_8] : memref<256xf32, #tpu.memory_space<vmem>>[vector<16xi32>], vector<16xf32>,
          %gather3A_191 = tpu.memref_slice %arg5[%mul3A_186] : memref<32768xf32, #tpu.memory_space<vmem>> -> memref<256xf32, #tpu.memory_space<vmem>>
          %gather3A_192 = tpu.vector_load_idx %gather3A_191[%add3A_32] : memref<256xf32, #tpu.memory_space<vmem>>[vector<16xi32>], vector<16xf32>,
          %abs3A = math.absf %gather3A_190 : vector<16xf32>
          %abs3A_193 = math.absf %gather3A_192 : vector<16xf32>
          %add3A_194 = arith.addf %abs3A, %abs3A_193 : vector<16xf32>
          %add3A_195 = vector.broadcast %add3A_189 : i32 to vector<16xi32>
          %add3A_196 = arith.addi %add3A_195, %add3A_53 : vector<16xi32>
          %lt3A_197 = arith.cmpf olt, %add3A_194, %scan3A_183 : vector<16xf32>
          %select_n3A_198 = arith.select %lt3A_197, %add3A_194, %scan3A_183 : vector<16xi1>, vector<16xf32>
          %select_n3A_199 = arith.select %lt3A_197, %add3A_196, %scan3A_184 : vector<16xi1>, vector<16xi32>
          %gather3A_200 = tpu.memref_slice %arg5[%mul3A_186] : memref<32768xf32, #tpu.memory_space<vmem>> -> memref<256xf32, #tpu.memory_space<vmem>>
          %gather3A_201 = tpu.vector_load_idx %gather3A_200[%add3A_14] : memref<256xf32, #tpu.memory_space<vmem>>[vector<16xi32>], vector<16xf32>,
          %gather3A_202 = tpu.memref_slice %arg5[%mul3A_186] : memref<32768xf32, #tpu.memory_space<vmem>> -> memref<256xf32, #tpu.memory_space<vmem>>
          %gather3A_203 = tpu.vector_load_idx %gather3A_202[%add3A_38] : memref<256xf32, #tpu.memory_space<vmem>>[vector<16xi32>], vector<16xf32>,
          %abs3A_204 = math.absf %gather3A_201 : vector<16xf32>
          %abs3A_205 = math.absf %gather3A_203 : vector<16xf32>
          %add3A_206 = arith.addf %abs3A_204, %abs3A_205 : vector<16xf32>
          %add3A_207 = vector.broadcast %add3A_189 : i32 to vector<16xi32>
          %add3A_208 = arith.addi %add3A_207, %add3A_56 : vector<16xi32>
          %lt3A_209 = arith.cmpf olt, %add3A_206, %select_n3A_198 : vector<16xf32>
          %select_n3A_210 = arith.select %lt3A_209, %add3A_206, %select_n3A_198 : vector<16xi1>, vector<16xf32>
          %select_n3A_211 = arith.select %lt3A_209, %add3A_208, %select_n3A_199 : vector<16xi1>, vector<16xi32>
          %gather3A_212 = tpu.memref_slice %arg5[%mul3A_186] : memref<32768xf32, #tpu.memory_space<vmem>> -> memref<256xf32, #tpu.memory_space<vmem>>
          %gather3A_213 = tpu.vector_load_idx %gather3A_212[%add3A_20] : memref<256xf32, #tpu.memory_space<vmem>>[vector<16xi32>], vector<16xf32>,
          %gather3A_214 = tpu.memref_slice %arg5[%mul3A_186] : memref<32768xf32, #tpu.memory_space<vmem>> -> memref<256xf32, #tpu.memory_space<vmem>>
          %gather3A_215 = tpu.vector_load_idx %gather3A_214[%add3A_44] : memref<256xf32, #tpu.memory_space<vmem>>[vector<16xi32>], vector<16xf32>,
          %abs3A_216 = math.absf %gather3A_213 : vector<16xf32>
          %abs3A_217 = math.absf %gather3A_215 : vector<16xf32>
          %add3A_218 = arith.addf %abs3A_216, %abs3A_217 : vector<16xf32>
          %add3A_219 = vector.broadcast %add3A_189 : i32 to vector<16xi32>
          %add3A_220 = arith.addi %add3A_219, %add3A_59 : vector<16xi32>
          %lt3A_221 = arith.cmpf olt, %add3A_218, %select_n3A_210 : vector<16xf32>
          %select_n3A_222 = arith.select %lt3A_221, %add3A_218, %select_n3A_210 : vector<16xi1>, vector<16xf32>
          %select_n3A_223 = arith.select %lt3A_221, %add3A_220, %select_n3A_211 : vector<16xi1>, vector<16xi32>
          %gather3A_224 = tpu.memref_slice %arg5[%mul3A_186] : memref<32768xf32, #tpu.memory_space<vmem>> -> memref<256xf32, #tpu.memory_space<vmem>>
          %gather3A_225 = tpu.vector_load_idx %gather3A_224[%add3A_26] : memref<256xf32, #tpu.memory_space<vmem>>[vector<16xi32>], vector<16xf32>,
          %gather3A_226 = tpu.memref_slice %arg5[%mul3A_186] : memref<32768xf32, #tpu.memory_space<vmem>> -> memref<256xf32, #tpu.memory_space<vmem>>
          %gather3A_227 = tpu.vector_load_idx %gather3A_226[%add3A_50] : memref<256xf32, #tpu.memory_space<vmem>>[vector<16xi32>], vector<16xf32>,
          %abs3A_228 = math.absf %gather3A_225 : vector<16xf32>
          %abs3A_229 = math.absf %gather3A_227 : vector<16xf32>
          %add3A_230 = arith.addf %abs3A_228, %abs3A_229 : vector<16xf32>
          %add3A_231 = vector.broadcast %add3A_189 : i32 to vector<16xi32>
          %add3A_232 = arith.addi %add3A_231, %add3A_62 : vector<16xi32>
          %lt3A_233 = arith.cmpf olt, %add3A_230, %select_n3A_222 : vector<16xf32>
          %select_n3A_234 = arith.select %lt3A_233, %add3A_230, %select_n3A_222 : vector<16xi1>, vector<16xf32>
          %select_n3A_235 = arith.select %lt3A_233, %add3A_232, %select_n3A_223 : vector<16xi1>, vector<16xi32>
          scf.yield %select_n3A_234, %select_n3A_235 : vector<16xf32>, vector<16xi32>
        }
        %scan3A_171 = arith.constant 128 : i32
        %eq3A = vector.broadcast %reduce_min3A_114 : f32 to vector<16xf32>
        %eq3A_172 = arith.cmpf oeq, %scan3A_170#0, %eq3A : vector<16xf32>
        %jit3A = arith.constant 2147483647 : i32
        %broadcast_in_dim3A_173 = vector.broadcast %jit3A : i32 to vector<16xi32>
        %select_n3A = arith.select %eq3A_172, %scan3A_170#1, %broadcast_in_dim3A_173 : vector<16xi1>, vector<16xi32>
        %reduce_min3A_174 = arith.constant true
        %reduce_min3A_175 = vector.broadcast %reduce_min3A_174 : i1 to vector<16xi1>
        %reduce_min3A_176 = arith.constant -2147483648 : i32
        %reduce_min3A_177 = vector.broadcast %reduce_min3A_176 : i32 to vector<16xi32>
        %reduce_min3A_178 = arith.xori %select_n3A, %reduce_min3A_177 : vector<16xi32>
        %reduce_min3A_179 = tpu.scan <min>, %reduce_min3A_178 masked %reduce_min3A_175 : vector<16xi32>, vector<16xi1> -> vector<16xi32>
        %reduce_min3A_180 = arith.xori %reduce_min3A_179, %reduce_min3A_177 : vector<16xi32>
        %reduce_min3A_181 = vector.extract %reduce_min3A_180[15] : i32 from vector<16xi32>
        scf.yield %reduce_min3A_114, %reduce_min3A_181 : f32, i32
      } else {
        scf.yield %scan3A_86, %scan3A_87 : f32, i32
      }
      %add3A_117 = arith.constant 2 : i32
      %add3A_118 = arith.addi %add3A_91, %add3A_117 : i32
      %lt3A_119 = arith.constant 32 : i32
      %lt3A_120 = arith.cmpi slt, %add3A_118, %lt3A_119 : i32
      %convert_element_type3A_121 = arith.extui %lt3A_120 : i1 to i32
      %cond3A_122 = arith.constant 0 : i32
      %cond3A_123 = arith.cmpi ne, %convert_element_type3A_121, %cond3A_122 : i32
      scf.if %cond3A_123 {
        %mul3A_166 = arith.constant 32768 : i32
        %mul3A_167 = arith.muli %add3A_118, %mul3A_166 : i32
        %add3A_168 = arith.addi %mul3A_2, %mul3A_167 : i32
        %dma_start3A_169 = tpu.memref_slice %arg2[%add3A_168] : memref<33554432xf32, #tpu.memory_space<hbm>> -> memref<32768xf32, #tpu.memory_space<hbm>>
        %dma_start3A_170 = tpu.memref_slice %arg2[%add3A_168] : memref<33554432xf32, #tpu.memory_space<hbm>> -> memref<32768xf32, #tpu.memory_space<hbm>>
        tpu.enqueue_dma source(%dma_start3A_170 : memref<32768xf32, #tpu.memory_space<hbm>>) target(%arg5 : memref<32768xf32, #tpu.memory_space<vmem>>) target_semaphore(%arg9 : memref<!tpu.dma_semaphore, #tpu.memory_space<semaphore_mem>>)
      } else {
      }
      %mul3A_124 = arith.constant 2 : i32
      %mul3A_125 = arith.muli %scan3A_85, %mul3A_124 : i32
      %add3A_126 = arith.constant 1 : i32
      %add3A_127 = arith.addi %mul3A_125, %add3A_126 : i32
      %dma_wait3A_128 = arith.constant 0 : i32
      %dma_wait3A_129 = tpu.memref_slice %arg2[%dma_wait3A_128] : memref<33554432xf32, #tpu.memory_space<hbm>> -> memref<32768xf32, #tpu.memory_space<hbm>>
      %dma_wait3A_130 = arith.constant 0 : i32
      %dma_wait3A_131 = tpu.memref_slice %arg2[%dma_wait3A_130] : memref<33554432xf32, #tpu.memory_space<hbm>> -> memref<32768xf32, #tpu.memory_space<hbm>>
      tpu.wait_dma2 semaphore(%arg10 : memref<!tpu.dma_semaphore, #tpu.memory_space<semaphore_mem>>) src(%dma_wait3A_131 : memref<32768xf32, #tpu.memory_space<hbm>>) dst(%arg6 : memref<32768xf32, #tpu.memory_space<vmem>>)
      %mul3A_132 = arith.constant 262144 : i32
      %mul3A_133 = arith.muli %add3A, %mul3A_132 : i32
      %mul3A_134 = arith.constant 8192 : i32
      %mul3A_135 = arith.muli %add3A_127, %mul3A_134 : i32
      %add3A_136 = arith.addi %mul3A_133, %mul3A_135 : i32
      %scan3A_137 = arith.constant 0 : i32
      %scan3A_138 = arith.constant 64 : i32
      %scan3A_139 = arith.addi %scan3A_137, %scan3A_138 : i32
      %scan3A_140 = arith.constant 1 : i32
      %scan3A_141:8 = scf.for %scan3A_166 = %scan3A_137 to %scan3A_139 step %scan3A_140 iter_args(%scan3A_167 = %broadcast_in_dim3A_70, %scan3A_168 = %broadcast_in_dim3A_70, %scan3A_169 = %broadcast_in_dim3A_70, %scan3A_170 = %broadcast_in_dim3A_70, %scan3A_171 = %broadcast_in_dim3A_70, %scan3A_172 = %broadcast_in_dim3A_70, %scan3A_173 = %broadcast_in_dim3A_70, %scan3A_174 = %broadcast_in_dim3A_70) -> (vector<16xf32>, vector<16xf32>, vector<16xf32>, vector<16xf32>, vector<16xf32>, vector<16xf32>, vector<16xf32>, vector<16xf32>)  : i32 {
        %mul3A_175 = arith.constant 2 : i32
        %mul3A_176 = arith.muli %scan3A_166, %mul3A_175 : i32
        %add3A_177 = arith.constant 0 : i32
        %add3A_178 = arith.addi %mul3A_176, %add3A_177 : i32
        %mul3A_179 = arith.constant 256 : i32
        %mul3A_180 = arith.muli %add3A_178, %mul3A_179 : i32
        %gather3A = tpu.memref_slice %arg6[%mul3A_180] : memref<32768xf32, #tpu.memory_space<vmem>> -> memref<256xf32, #tpu.memory_space<vmem>>
        %gather3A_181 = tpu.vector_load_idx %gather3A[%add3A_8] : memref<256xf32, #tpu.memory_space<vmem>>[vector<16xi32>], vector<16xf32>,
        %gather3A_182 = tpu.memref_slice %arg6[%mul3A_180] : memref<32768xf32, #tpu.memory_space<vmem>> -> memref<256xf32, #tpu.memory_space<vmem>>
        %gather3A_183 = tpu.vector_load_idx %gather3A_182[%add3A_32] : memref<256xf32, #tpu.memory_space<vmem>>[vector<16xi32>], vector<16xf32>,
        %abs3A = math.absf %gather3A_181 : vector<16xf32>
        %abs3A_184 = math.absf %gather3A_183 : vector<16xf32>
        %add3A_185 = arith.addf %abs3A, %abs3A_184 : vector<16xf32>
        %min3A_186 = arith.minimumf %scan3A_167, %add3A_185 : vector<16xf32>
        %gather3A_187 = tpu.memref_slice %arg6[%mul3A_180] : memref<32768xf32, #tpu.memory_space<vmem>> -> memref<256xf32, #tpu.memory_space<vmem>>
        %gather3A_188 = tpu.vector_load_idx %gather3A_187[%add3A_14] : memref<256xf32, #tpu.memory_space<vmem>>[vector<16xi32>], vector<16xf32>,
        %gather3A_189 = tpu.memref_slice %arg6[%mul3A_180] : memref<32768xf32, #tpu.memory_space<vmem>> -> memref<256xf32, #tpu.memory_space<vmem>>
        %gather3A_190 = tpu.vector_load_idx %gather3A_189[%add3A_38] : memref<256xf32, #tpu.memory_space<vmem>>[vector<16xi32>], vector<16xf32>,
        %abs3A_191 = math.absf %gather3A_188 : vector<16xf32>
        %abs3A_192 = math.absf %gather3A_190 : vector<16xf32>
        %add3A_193 = arith.addf %abs3A_191, %abs3A_192 : vector<16xf32>
        %min3A_194 = arith.minimumf %scan3A_168, %add3A_193 : vector<16xf32>
        %gather3A_195 = tpu.memref_slice %arg6[%mul3A_180] : memref<32768xf32, #tpu.memory_space<vmem>> -> memref<256xf32, #tpu.memory_space<vmem>>
        %gather3A_196 = tpu.vector_load_idx %gather3A_195[%add3A_20] : memref<256xf32, #tpu.memory_space<vmem>>[vector<16xi32>], vector<16xf32>,
        %gather3A_197 = tpu.memref_slice %arg6[%mul3A_180] : memref<32768xf32, #tpu.memory_space<vmem>> -> memref<256xf32, #tpu.memory_space<vmem>>
        %gather3A_198 = tpu.vector_load_idx %gather3A_197[%add3A_44] : memref<256xf32, #tpu.memory_space<vmem>>[vector<16xi32>], vector<16xf32>,
        %abs3A_199 = math.absf %gather3A_196 : vector<16xf32>
        %abs3A_200 = math.absf %gather3A_198 : vector<16xf32>
        %add3A_201 = arith.addf %abs3A_199, %abs3A_200 : vector<16xf32>
        %min3A_202 = arith.minimumf %scan3A_169, %add3A_201 : vector<16xf32>
        %gather3A_203 = tpu.memref_slice %arg6[%mul3A_180] : memref<32768xf32, #tpu.memory_space<vmem>> -> memref<256xf32, #tpu.memory_space<vmem>>
        %gather3A_204 = tpu.vector_load_idx %gather3A_203[%add3A_26] : memref<256xf32, #tpu.memory_space<vmem>>[vector<16xi32>], vector<16xf32>,
        %gather3A_205 = tpu.memref_slice %arg6[%mul3A_180] : memref<32768xf32, #tpu.memory_space<vmem>> -> memref<256xf32, #tpu.memory_space<vmem>>
        %gather3A_206 = tpu.vector_load_idx %gather3A_205[%add3A_50] : memref<256xf32, #tpu.memory_space<vmem>>[vector<16xi32>], vector<16xf32>,
        %abs3A_207 = math.absf %gather3A_204 : vector<16xf32>
        %abs3A_208 = math.absf %gather3A_206 : vector<16xf32>
        %add3A_209 = arith.addf %abs3A_207, %abs3A_208 : vector<16xf32>
        %min3A_210 = arith.minimumf %scan3A_170, %add3A_209 : vector<16xf32>
        %mul3A_211 = arith.constant 2 : i32
        %mul3A_212 = arith.muli %scan3A_166, %mul3A_211 : i32
        %add3A_213 = arith.constant 1 : i32
        %add3A_214 = arith.addi %mul3A_212, %add3A_213 : i32
        %mul3A_215 = arith.constant 256 : i32
        %mul3A_216 = arith.muli %add3A_214, %mul3A_215 : i32
        %gather3A_217 = tpu.memref_slice %arg6[%mul3A_216] : memref<32768xf32, #tpu.memory_space<vmem>> -> memref<256xf32, #tpu.memory_space<vmem>>
        %gather3A_218 = tpu.vector_load_idx %gather3A_217[%add3A_8] : memref<256xf32, #tpu.memory_space<vmem>>[vector<16xi32>], vector<16xf32>,
        %gather3A_219 = tpu.memref_slice %arg6[%mul3A_216] : memref<32768xf32, #tpu.memory_space<vmem>> -> memref<256xf32, #tpu.memory_space<vmem>>
        %gather3A_220 = tpu.vector_load_idx %gather3A_219[%add3A_32] : memref<256xf32, #tpu.memory_space<vmem>>[vector<16xi32>], vector<16xf32>,
        %abs3A_221 = math.absf %gather3A_218 : vector<16xf32>
        %abs3A_222 = math.absf %gather3A_220 : vector<16xf32>
        %add3A_223 = arith.addf %abs3A_221, %abs3A_222 : vector<16xf32>
        %min3A_224 = arith.minimumf %scan3A_171, %add3A_223 : vector<16xf32>
        %gather3A_225 = tpu.memref_slice %arg6[%mul3A_216] : memref<32768xf32, #tpu.memory_space<vmem>> -> memref<256xf32, #tpu.memory_space<vmem>>
        %gather3A_226 = tpu.vector_load_idx %gather3A_225[%add3A_14] : memref<256xf32, #tpu.memory_space<vmem>>[vector<16xi32>], vector<16xf32>,
        %gather3A_227 = tpu.memref_slice %arg6[%mul3A_216] : memref<32768xf32, #tpu.memory_space<vmem>> -> memref<256xf32, #tpu.memory_space<vmem>>
        %gather3A_228 = tpu.vector_load_idx %gather3A_227[%add3A_38] : memref<256xf32, #tpu.memory_space<vmem>>[vector<16xi32>], vector<16xf32>,
        %abs3A_229 = math.absf %gather3A_226 : vector<16xf32>
        %abs3A_230 = math.absf %gather3A_228 : vector<16xf32>
        %add3A_231 = arith.addf %abs3A_229, %abs3A_230 : vector<16xf32>
        %min3A_232 = arith.minimumf %scan3A_172, %add3A_231 : vector<16xf32>
        %gather3A_233 = tpu.memref_slice %arg6[%mul3A_216] : memref<32768xf32, #tpu.memory_space<vmem>> -> memref<256xf32, #tpu.memory_space<vmem>>
        %gather3A_234 = tpu.vector_load_idx %gather3A_233[%add3A_20] : memref<256xf32, #tpu.memory_space<vmem>>[vector<16xi32>], vector<16xf32>,
        %gather3A_235 = tpu.memref_slice %arg6[%mul3A_216] : memref<32768xf32, #tpu.memory_space<vmem>> -> memref<256xf32, #tpu.memory_space<vmem>>
        %gather3A_236 = tpu.vector_load_idx %gather3A_235[%add3A_44] : memref<256xf32, #tpu.memory_space<vmem>>[vector<16xi32>], vector<16xf32>,
        %abs3A_237 = math.absf %gather3A_234 : vector<16xf32>
        %abs3A_238 = math.absf %gather3A_236 : vector<16xf32>
        %add3A_239 = arith.addf %abs3A_237, %abs3A_238 : vector<16xf32>
        %min3A_240 = arith.minimumf %scan3A_173, %add3A_239 : vector<16xf32>
        %gather3A_241 = tpu.memref_slice %arg6[%mul3A_216] : memref<32768xf32, #tpu.memory_space<vmem>> -> memref<256xf32, #tpu.memory_space<vmem>>
        %gather3A_242 = tpu.vector_load_idx %gather3A_241[%add3A_26] : memref<256xf32, #tpu.memory_space<vmem>>[vector<16xi32>], vector<16xf32>,
        %gather3A_243 = tpu.memref_slice %arg6[%mul3A_216] : memref<32768xf32, #tpu.memory_space<vmem>> -> memref<256xf32, #tpu.memory_space<vmem>>
        %gather3A_244 = tpu.vector_load_idx %gather3A_243[%add3A_50] : memref<256xf32, #tpu.memory_space<vmem>>[vector<16xi32>], vector<16xf32>,
        %abs3A_245 = math.absf %gather3A_242 : vector<16xf32>
        %abs3A_246 = math.absf %gather3A_244 : vector<16xf32>
        %add3A_247 = arith.addf %abs3A_245, %abs3A_246 : vector<16xf32>
        %min3A_248 = arith.minimumf %scan3A_174, %add3A_247 : vector<16xf32>
        scf.yield %min3A_186, %min3A_194, %min3A_202, %min3A_210, %min3A_224, %min3A_232, %min3A_240, %min3A_248 : vector<16xf32>, vector<16xf32>, vector<16xf32>, vector<16xf32>, vector<16xf32>, vector<16xf32>, vector<16xf32>, vector<16xf32>
      }
      %scan3A_142 = arith.constant 64 : i32
      %min3A_143 = arith.minimumf %scan3A_141#0, %scan3A_141#1 : vector<16xf32>
      %min3A_144 = arith.minimumf %scan3A_141#2, %scan3A_141#3 : vector<16xf32>
      %min3A_145 = arith.minimumf %min3A_143, %min3A_144 : vector<16xf32>
      %min3A_146 = arith.minimumf %scan3A_141#4, %scan3A_141#5 : vector<16xf32>
      %min3A_147 = arith.minimumf %scan3A_141#6, %scan3A_141#7 : vector<16xf32>
      %min3A_148 = arith.minimumf %min3A_146, %min3A_147 : vector<16xf32>
      %min3A_149 = arith.minimumf %min3A_145, %min3A_148 : vector<16xf32>
      %reduce_min3A_150 = arith.constant true
      %reduce_min3A_151 = vector.broadcast %reduce_min3A_150 : i1 to vector<16xi1>
      %reduce_min3A_152 = tpu.scan <min>, %min3A_149 masked %reduce_min3A_151 : vector<16xf32>, vector<16xi1> -> vector<16xf32>
      %reduce_min3A_153 = vector.extract %reduce_min3A_152[15] : f32 from vector<16xf32>
      %lt3A_154 = arith.cmpf olt, %reduce_min3A_153, %cond3A_116#0 : f32
      %convert_element_type3A_155 = arith.extui %lt3A_154 : i1 to i32
      %cond3A_156 = arith.constant 0 : i32
      %cond3A_157 = arith.cmpi ne, %convert_element_type3A_155, %cond3A_156 : i32
      %cond3A_158:2 = scf.if %cond3A_157 -> (f32, i32) {
        %scan3A_166 = arith.constant 0 : i32
        %scan3A_167 = arith.constant 128 : i32
        %scan3A_168 = arith.addi %scan3A_166, %scan3A_167 : i32
        %scan3A_169 = arith.constant 1 : i32
        %scan3A_170:2 = scf.for %scan3A_182 = %scan3A_166 to %scan3A_168 step %scan3A_169 iter_args(%scan3A_183 = %broadcast_in_dim3A_70, %scan3A_184 = %broadcast_in_dim3A_72) -> (vector<16xf32>, vector<16xi32>)  : i32 {
          %mul3A_185 = arith.constant 256 : i32
          %mul3A_186 = arith.muli %scan3A_182, %mul3A_185 : i32
          %mul3A_187 = arith.constant 64 : i32
          %mul3A_188 = arith.muli %scan3A_182, %mul3A_187 : i32
          %add3A_189 = arith.addi %add3A_136, %mul3A_188 : i32
          %gather3A = tpu.memref_slice %arg6[%mul3A_186] : memref<32768xf32, #tpu.memory_space<vmem>> -> memref<256xf32, #tpu.memory_space<vmem>>
          %gather3A_190 = tpu.vector_load_idx %gather3A[%add3A_8] : memref<256xf32, #tpu.memory_space<vmem>>[vector<16xi32>], vector<16xf32>,
          %gather3A_191 = tpu.memref_slice %arg6[%mul3A_186] : memref<32768xf32, #tpu.memory_space<vmem>> -> memref<256xf32, #tpu.memory_space<vmem>>
          %gather3A_192 = tpu.vector_load_idx %gather3A_191[%add3A_32] : memref<256xf32, #tpu.memory_space<vmem>>[vector<16xi32>], vector<16xf32>,
          %abs3A = math.absf %gather3A_190 : vector<16xf32>
          %abs3A_193 = math.absf %gather3A_192 : vector<16xf32>
          %add3A_194 = arith.addf %abs3A, %abs3A_193 : vector<16xf32>
          %add3A_195 = vector.broadcast %add3A_189 : i32 to vector<16xi32>
          %add3A_196 = arith.addi %add3A_195, %add3A_53 : vector<16xi32>
          %lt3A_197 = arith.cmpf olt, %add3A_194, %scan3A_183 : vector<16xf32>
          %select_n3A_198 = arith.select %lt3A_197, %add3A_194, %scan3A_183 : vector<16xi1>, vector<16xf32>
          %select_n3A_199 = arith.select %lt3A_197, %add3A_196, %scan3A_184 : vector<16xi1>, vector<16xi32>
          %gather3A_200 = tpu.memref_slice %arg6[%mul3A_186] : memref<32768xf32, #tpu.memory_space<vmem>> -> memref<256xf32, #tpu.memory_space<vmem>>
          %gather3A_201 = tpu.vector_load_idx %gather3A_200[%add3A_14] : memref<256xf32, #tpu.memory_space<vmem>>[vector<16xi32>], vector<16xf32>,
          %gather3A_202 = tpu.memref_slice %arg6[%mul3A_186] : memref<32768xf32, #tpu.memory_space<vmem>> -> memref<256xf32, #tpu.memory_space<vmem>>
          %gather3A_203 = tpu.vector_load_idx %gather3A_202[%add3A_38] : memref<256xf32, #tpu.memory_space<vmem>>[vector<16xi32>], vector<16xf32>,
          %abs3A_204 = math.absf %gather3A_201 : vector<16xf32>
          %abs3A_205 = math.absf %gather3A_203 : vector<16xf32>
          %add3A_206 = arith.addf %abs3A_204, %abs3A_205 : vector<16xf32>
          %add3A_207 = vector.broadcast %add3A_189 : i32 to vector<16xi32>
          %add3A_208 = arith.addi %add3A_207, %add3A_56 : vector<16xi32>
          %lt3A_209 = arith.cmpf olt, %add3A_206, %select_n3A_198 : vector<16xf32>
          %select_n3A_210 = arith.select %lt3A_209, %add3A_206, %select_n3A_198 : vector<16xi1>, vector<16xf32>
          %select_n3A_211 = arith.select %lt3A_209, %add3A_208, %select_n3A_199 : vector<16xi1>, vector<16xi32>
          %gather3A_212 = tpu.memref_slice %arg6[%mul3A_186] : memref<32768xf32, #tpu.memory_space<vmem>> -> memref<256xf32, #tpu.memory_space<vmem>>
          %gather3A_213 = tpu.vector_load_idx %gather3A_212[%add3A_20] : memref<256xf32, #tpu.memory_space<vmem>>[vector<16xi32>], vector<16xf32>,
          %gather3A_214 = tpu.memref_slice %arg6[%mul3A_186] : memref<32768xf32, #tpu.memory_space<vmem>> -> memref<256xf32, #tpu.memory_space<vmem>>
          %gather3A_215 = tpu.vector_load_idx %gather3A_214[%add3A_44] : memref<256xf32, #tpu.memory_space<vmem>>[vector<16xi32>], vector<16xf32>,
          %abs3A_216 = math.absf %gather3A_213 : vector<16xf32>
          %abs3A_217 = math.absf %gather3A_215 : vector<16xf32>
          %add3A_218 = arith.addf %abs3A_216, %abs3A_217 : vector<16xf32>
          %add3A_219 = vector.broadcast %add3A_189 : i32 to vector<16xi32>
          %add3A_220 = arith.addi %add3A_219, %add3A_59 : vector<16xi32>
          %lt3A_221 = arith.cmpf olt, %add3A_218, %select_n3A_210 : vector<16xf32>
          %select_n3A_222 = arith.select %lt3A_221, %add3A_218, %select_n3A_210 : vector<16xi1>, vector<16xf32>
          %select_n3A_223 = arith.select %lt3A_221, %add3A_220, %select_n3A_211 : vector<16xi1>, vector<16xi32>
          %gather3A_224 = tpu.memref_slice %arg6[%mul3A_186] : memref<32768xf32, #tpu.memory_space<vmem>> -> memref<256xf32, #tpu.memory_space<vmem>>
          %gather3A_225 = tpu.vector_load_idx %gather3A_224[%add3A_26] : memref<256xf32, #tpu.memory_space<vmem>>[vector<16xi32>], vector<16xf32>,
          %gather3A_226 = tpu.memref_slice %arg6[%mul3A_186] : memref<32768xf32, #tpu.memory_space<vmem>> -> memref<256xf32, #tpu.memory_space<vmem>>
          %gather3A_227 = tpu.vector_load_idx %gather3A_226[%add3A_50] : memref<256xf32, #tpu.memory_space<vmem>>[vector<16xi32>], vector<16xf32>,
          %abs3A_228 = math.absf %gather3A_225 : vector<16xf32>
          %abs3A_229 = math.absf %gather3A_227 : vector<16xf32>
          %add3A_230 = arith.addf %abs3A_228, %abs3A_229 : vector<16xf32>
          %add3A_231 = vector.broadcast %add3A_189 : i32 to vector<16xi32>
          %add3A_232 = arith.addi %add3A_231, %add3A_62 : vector<16xi32>
          %lt3A_233 = arith.cmpf olt, %add3A_230, %select_n3A_222 : vector<16xf32>
          %select_n3A_234 = arith.select %lt3A_233, %add3A_230, %select_n3A_222 : vector<16xi1>, vector<16xf32>
          %select_n3A_235 = arith.select %lt3A_233, %add3A_232, %select_n3A_223 : vector<16xi1>, vector<16xi32>
          scf.yield %select_n3A_234, %select_n3A_235 : vector<16xf32>, vector<16xi32>
        }
        %scan3A_171 = arith.constant 128 : i32
        %eq3A = vector.broadcast %reduce_min3A_153 : f32 to vector<16xf32>
        %eq3A_172 = arith.cmpf oeq, %scan3A_170#0, %eq3A : vector<16xf32>
        %jit3A = arith.constant 2147483647 : i32
        %broadcast_in_dim3A_173 = vector.broadcast %jit3A : i32 to vector<16xi32>
        %select_n3A = arith.select %eq3A_172, %scan3A_170#1, %broadcast_in_dim3A_173 : vector<16xi1>, vector<16xi32>
        %reduce_min3A_174 = arith.constant true
        %reduce_min3A_175 = vector.broadcast %reduce_min3A_174 : i1 to vector<16xi1>
        %reduce_min3A_176 = arith.constant -2147483648 : i32
        %reduce_min3A_177 = vector.broadcast %reduce_min3A_176 : i32 to vector<16xi32>
        %reduce_min3A_178 = arith.xori %select_n3A, %reduce_min3A_177 : vector<16xi32>
        %reduce_min3A_179 = tpu.scan <min>, %reduce_min3A_178 masked %reduce_min3A_175 : vector<16xi32>, vector<16xi1> -> vector<16xi32>
        %reduce_min3A_180 = arith.xori %reduce_min3A_179, %reduce_min3A_177 : vector<16xi32>
        %reduce_min3A_181 = vector.extract %reduce_min3A_180[15] : i32 from vector<16xi32>
        scf.yield %reduce_min3A_153, %reduce_min3A_181 : f32, i32
      } else {
        scf.yield %cond3A_116#0, %cond3A_116#1 : f32, i32
      }
      %add3A_159 = arith.constant 2 : i32
      %add3A_160 = arith.addi %add3A_127, %add3A_159 : i32
      %lt3A_161 = arith.constant 32 : i32
      %lt3A_162 = arith.cmpi slt, %add3A_160, %lt3A_161 : i32
      %convert_element_type3A_163 = arith.extui %lt3A_162 : i1 to i32
      %cond3A_164 = arith.constant 0 : i32
      %cond3A_165 = arith.cmpi ne, %convert_element_type3A_163, %cond3A_164 : i32
      scf.if %cond3A_165 {
        %mul3A_166 = arith.constant 32768 : i32
        %mul3A_167 = arith.muli %add3A_160, %mul3A_166 : i32
        %add3A_168 = arith.addi %mul3A_2, %mul3A_167 : i32
        %dma_start3A_169 = tpu.memref_slice %arg2[%add3A_168] : memref<33554432xf32, #tpu.memory_space<hbm>> -> memref<32768xf32, #tpu.memory_space<hbm>>
        %dma_start3A_170 = tpu.memref_slice %arg2[%add3A_168] : memref<33554432xf32, #tpu.memory_space<hbm>> -> memref<32768xf32, #tpu.memory_space<hbm>>
        tpu.enqueue_dma source(%dma_start3A_170 : memref<32768xf32, #tpu.memory_space<hbm>>) target(%arg6 : memref<32768xf32, #tpu.memory_space<vmem>>) target_semaphore(%arg10 : memref<!tpu.dma_semaphore, #tpu.memory_space<semaphore_mem>>)
      } else {
      }
      scf.yield %cond3A_158#0, %cond3A_158#1 : f32, i32
    }
    %scan3A_79 = arith.constant 16 : i32
    %broadcast_in_dim3A_80 = vector.broadcast %scan3A_78#0 : f32 to vector<16xf32>
    %swap3A = arith.constant 0 : index
    %swap3A_81 = tpu.vector_load %arg7[%swap3A] {strides = array<i32>} : memref<16xf32, #tpu.memory_space<vmem>>, vector<16xf32>,
    tpu.vector_store %arg7[%swap3A], %broadcast_in_dim3A_80 {strides = array<i32>} : memref<16xf32, #tpu.memory_space<vmem>>, vector<16xf32>,
    %broadcast_in_dim3A_82 = vector.broadcast %scan3A_78#1 : i32 to vector<16xi32>
    %swap3A_83 = arith.constant 0 : index
    %swap3A_84 = tpu.vector_load %arg8[%swap3A_83] {strides = array<i32>} : memref<16xi32, #tpu.memory_space<vmem>>, vector<16xi32>,
    tpu.vector_store %arg8[%swap3A_83], %broadcast_in_dim3A_82 {strides = array<i32>} : memref<16xi32, #tpu.memory_space<vmem>>, vector<16xi32>,
    "tpu.region"() ({
      %run_scoped3A = tpu.sem_alloc : memref<!tpu.dma_semaphore, #tpu.memory_space<semaphore_mem>>
      %dma_start3A_85 = arith.constant 0 : i32
      %dma_start3A_86 = tpu.memref_slice %arg3[%add3A, %dma_start3A_85] : memref<32x16xf32, #tpu.memory_space<hbm>> -> memref<1x16xf32, #tpu.memory_space<hbm>>
      %dma_start3A_87 = tpu.memref_squeeze %dma_start3A_86 : memref<1x16xf32, #tpu.memory_space<hbm>> -> memref<16xf32, #tpu.memory_space<hbm>>
      %dma_start3A_88 = arith.constant 0 : i32
      %dma_start3A_89 = tpu.memref_slice %arg3[%add3A, %dma_start3A_88] : memref<32x16xf32, #tpu.memory_space<hbm>> -> memref<1x16xf32, #tpu.memory_space<hbm>>
      %dma_start3A_90 = tpu.memref_squeeze %dma_start3A_89 : memref<1x16xf32, #tpu.memory_space<hbm>> -> memref<16xf32, #tpu.memory_space<hbm>>
      tpu.enqueue_dma source(%arg7 : memref<16xf32, #tpu.memory_space<vmem>>) target(%dma_start3A_90 : memref<16xf32, #tpu.memory_space<hbm>>) target_semaphore(%run_scoped3A : memref<!tpu.dma_semaphore, #tpu.memory_space<semaphore_mem>>)
      %dma_wait3A = arith.constant 0 : i32
      %dma_wait3A_91 = tpu.memref_slice %arg3[%add3A, %dma_wait3A] : memref<32x16xf32, #tpu.memory_space<hbm>> -> memref<1x16xf32, #tpu.memory_space<hbm>>
      %dma_wait3A_92 = tpu.memref_squeeze %dma_wait3A_91 : memref<1x16xf32, #tpu.memory_space<hbm>> -> memref<16xf32, #tpu.memory_space<hbm>>
      %dma_wait3A_93 = arith.constant 0 : i32
      %dma_wait3A_94 = tpu.memref_slice %arg3[%add3A, %dma_wait3A_93] : memref<32x16xf32, #tpu.memory_space<hbm>> -> memref<1x16xf32, #tpu.memory_space<hbm>>
      %dma_wait3A_95 = tpu.memref_squeeze %dma_wait3A_94 : memref<1x16xf32, #tpu.memory_space<hbm>> -> memref<16xf32, #tpu.memory_space<hbm>>
      tpu.wait_dma2 semaphore(%run_scoped3A : memref<!tpu.dma_semaphore, #tpu.memory_space<semaphore_mem>>) src(%arg7 : memref<16xf32, #tpu.memory_space<vmem>>) dst(%dma_wait3A_95 : memref<16xf32, #tpu.memory_space<hbm>>)
      tpu.yield
    }) : () -> ()
    "tpu.region"() ({
      %run_scoped3A = tpu.sem_alloc : memref<!tpu.dma_semaphore, #tpu.memory_space<semaphore_mem>>
      %dma_start3A_85 = arith.constant 0 : i32
      %dma_start3A_86 = tpu.memref_slice %arg4[%add3A, %dma_start3A_85] : memref<32x16xi32, #tpu.memory_space<hbm>> -> memref<1x16xi32, #tpu.memory_space<hbm>>
      %dma_start3A_87 = tpu.memref_squeeze %dma_start3A_86 : memref<1x16xi32, #tpu.memory_space<hbm>> -> memref<16xi32, #tpu.memory_space<hbm>>
      %dma_start3A_88 = arith.constant 0 : i32
      %dma_start3A_89 = tpu.memref_slice %arg4[%add3A, %dma_start3A_88] : memref<32x16xi32, #tpu.memory_space<hbm>> -> memref<1x16xi32, #tpu.memory_space<hbm>>
      %dma_start3A_90 = tpu.memref_squeeze %dma_start3A_89 : memref<1x16xi32, #tpu.memory_space<hbm>> -> memref<16xi32, #tpu.memory_space<hbm>>
      tpu.enqueue_dma source(%arg8 : memref<16xi32, #tpu.memory_space<vmem>>) target(%dma_start3A_90 : memref<16xi32, #tpu.memory_space<hbm>>) target_semaphore(%run_scoped3A : memref<!tpu.dma_semaphore, #tpu.memory_space<semaphore_mem>>)
      %dma_wait3A = arith.constant 0 : i32
      %dma_wait3A_91 = tpu.memref_slice %arg4[%add3A, %dma_wait3A] : memref<32x16xi32, #tpu.memory_space<hbm>> -> memref<1x16xi32, #tpu.memory_space<hbm>>
      %dma_wait3A_92 = tpu.memref_squeeze %dma_wait3A_91 : memref<1x16xi32, #tpu.memory_space<hbm>> -> memref<16xi32, #tpu.memory_space<hbm>>
      %dma_wait3A_93 = arith.constant 0 : i32
      %dma_wait3A_94 = tpu.memref_slice %arg4[%add3A, %dma_wait3A_93] : memref<32x16xi32, #tpu.memory_space<hbm>> -> memref<1x16xi32, #tpu.memory_space<hbm>>
      %dma_wait3A_95 = tpu.memref_squeeze %dma_wait3A_94 : memref<1x16xi32, #tpu.memory_space<hbm>> -> memref<16xi32, #tpu.memory_space<hbm>>
      tpu.wait_dma2 semaphore(%run_scoped3A : memref<!tpu.dma_semaphore, #tpu.memory_space<semaphore_mem>>) src(%arg8 : memref<16xi32, #tpu.memory_space<vmem>>) dst(%dma_wait3A_95 : memref<16xi32, #tpu.memory_space<hbm>>)
      tpu.yield
    }) : () -> ()
    return
  }
}

</mosaic_0001>

<sc_bundles>
// kernel: kernel.4.cloned.1.call-start
scs
__scs_entry_jumppad:
0x0: {  	(pc) =	sbr.rel $0x88, $3  }
0x1: {  	(tag) =	ssettag $0x0;
	lr =	simm.s32 $0x1  }
0x2: {  	[smem:$0x3FA0] =	sst lr;
	_ =	strace $0xD0000000  }
0x3: {  	_ = 	snop  }
0x4: {  	_ = 	snop  }
0x5: {  	_ = 	snop  }
0x6: {  	_ = 	snop  }
0x7: {  	_ = 	snop  }
__scs_overlays_trampoline_lowered:
0x8: {  	[smem:$0x3FAF] =	sst s0  }
0x9: {  	[smem:$0x3FB0] =	sst s1  }
0xa: {  	[smem:$0x3FB1] =	sst s2  }
0xb: {  	[smem:$0x3FB2] =	sst s3  }
0xc: {  	[smem:$0x3FB3] =	sst s4  }
0xd: {  	[smem:$0x3FB4] =	sst s5  }
0xe: {  	[smem:$0x3FB5] =	sst s6  }
0xf: {  	[smem:$0x3FB6] =	sst s7  }
0x10: {  	[smem:$0x3FB7] =	sst s8  }
0x11: {  	[smem:$0x3FB8] =	sst s9;
	s0 =	simm.s32 @!p0 $0x0  }
0x12: {  	s1 =	sld [smem:$0x3F9E];
	s0 =	simm.s32 @p0 $0x1  }
0x13: {  	[smem:$0x3FB9] =	sst s0;
	s0 =	simm.s32 @!p1 $0x0  }
0x14: {  	s2 =	sld [smem:$0x3F9D];
	s0 =	simm.s32 @p1 $0x1  }
0x15: {  	[smem:$0x3FBA] =	sst s0;
	s0 =	simm.s32 @!p2 $0x0  }
0x16: {  	s3 =	sld [smem:$0x3FDB];
	s0 =	simm.s32 @p2 $0x1  }
0x17: {  	s4 =	simm.s32 $0x1BF5;
	[smem:$0x3FBC] =	sst s0  }
0x18: {  	s0 =	sld [smem:$0x3F9F];
	_ =	swait.ge [sflag:s4], $0x0  }
0x19: {  	s7 =	sld [smem:$0x3FA0]  }
0x1a: {  	s8 =	sadd.s32 $0xFFFFE003, lr  }
0x1b: {  	s9 =	sadd.s32 $0xFFFFFEF7, lr;
	s5 =	simm.s32 $0xFFFFFFFF;
	p2 =	slt.u32 s8, $0xFFFFF086  }
0x1c: {  	p1 =	slt.u32 s9, $0xF7A;
	s5 =	simm.s32 @!p2 $0x0  }
0x1d: {  	s5 =	simm.s32 @p1 $0x1;
	p0 =	seq.s32 s7, s2  }
0x1e: {  	s7 =	smul.u32 @!p0 $0xF7A, s2;
	p2 =	seq.s32 @!p0 s5, $0x0  }
0x1f: {  	s9 =	smul.u32 $0xF7A, s1;
	s8 =	simm.s32 @!p0 $0x1BF5;
	p2 =	por !p2, p0  }
0x20: {  	[sflag:s8] =	ssyncset.s32 @!p0 $0xFFFFF086;
	s6 =	sadd.s32 @!p0 s3, s7;
	s7 =	simm.s32 @!p0 $0x108  }
0x21: {  	s3 =	sadd.s32 s3, s9;
	s6 =	sadd.s32 @!p0 $0x88, s6;
	s7 =	simm.s32 @p2 $0x1082  }
0x22: {  	[simem:s7], [sflag:s8] =	dma.local @!p0 [hbm:s6], $0xF7A  }
0x23: {  	s9 =	sor.u32 $0xD0000000, s2;
	s6 =	simm.s32 $0x108;
	_ =	swait.ge @!p0 [sflag:s8], $0x0  }
0x24: {  	s3 =	sadd.s32 $0x88, s3;
	s6 =	simm.s32 @!p1 $0x1082;
	[sflag:s4] =	ssyncset.s32 $0xFFFFF086  }
0x25: {  	[simem:s6], [sflag:s4] =	dma.local [hbm:s3], $0xF7A  }
0x26: {  	[smem:$0x3FA0] =	sst s1;
	(tag) =	ssettag s2;
	_ =	strace s9  }
0x27: {  	s1 =	sld [smem:$0x3FB0]  }
0x28: {  	s2 =	sld [smem:$0x3FB1]  }
0x29: {  	s4 =	sld [smem:$0x3FB3]  }
0x2a: {  	p0 =	seq.s32 s5, $0x0;
	s5 =	sld [smem:$0x3FB4]  }
0x2b: {  	s6 =	sld [smem:$0x3FB5]  }
0x2c: {  	s7 =	sld [smem:$0x3FB6]  }
0x2d: {  	s3 =	simm.s32 $0x108;
	s8 =	sld [smem:$0x3FB7]  }
0x2e: {  	s3 =	simm.s32 @!p0 $0x1082;
	s9 =	sld [smem:$0x3FB8]  }
0x2f: {  	lr =	sadd.s32 s0, s3;
	s0 =	sld [smem:$0x3FAF]  }
0x30: {  	s3 =	sld [smem:$0x3FB2]  }
0x31: {  	[smem:$0x3FBB] =	sst s10  }
0x32: {  	s10 =	sld [smem:$0x3FB9];
	_ =	sdelay $0x3  }
0x33: {  	p0 =	seq.s32 s10, $0x1;
	s10 =	sld [smem:$0x3FBB];
	_ =	sdelay $0x3  }
0x34: {  	[smem:$0x3FBB] =	sst s10  }
0x35: {  	s10 =	sld [smem:$0x3FBA];
	_ =	sdelay $0x3  }
0x36: {  	p1 =	seq.s32 s10, $0x1;
	s10 =	sld [smem:$0x3FBB];
	_ =	sdelay $0x3  }
0x37: {  	[smem:$0x3FBB] =	sst s10  }
0x38: {  	s10 =	sld [smem:$0x3FBC]  }
0x39: {  	_ = 	snop;
	(pc) =	sbr.ind lr, $3  }
0x3a: {  	_ = 	snop  }
0x3b: {  	_ = 	snop  }
0x3c: {  	p2 =	seq.s32 s10, $0x1;
	s10 =	sld [smem:$0x3FBB]  }
0x3d: {  	_ =	shalt  }
0x3e: {  	_ =	shalt  }
0x3f: {  	_ =	shalt  }
0x40: {  	_ =	shalt  }
0x41: {  	_ =	shalt  }
0x42: {  	_ =	shalt  }
0x43: {  	_ =	shalt  }
0x44: {  	_ =	shalt  }
0x45: {  	_ =	shalt  }
0x46: {  	_ =	shalt  }
0x47: {  	_ =	shalt  }
0x48: {  	_ =	shalt  }
0x49: {  	_ =	shalt  }
0x4a: {  	_ =	shalt  }
0x4b: {  	_ =	shalt  }
0x4c: {  	_ =	shalt  }
0x4d: {  	_ =	shalt  }
0x4e: {  	_ =	shalt  }
0x4f: {  	_ =	shalt  }
0x50: {  	_ =	shalt  }
0x51: {  	_ =	shalt  }
0x52: {  	_ =	shalt  }
0x53: {  	_ =	shalt  }
0x54: {  	_ =	shalt  }
0x55: {  	_ =	shalt  }
0x56: {  	_ =	shalt  }
0x57: {  	_ =	shalt  }
0x58: {  	_ =	shalt  }
0x59: {  	_ =	shalt  }
0x5a: {  	_ =	shalt  }
0x5b: {  	_ =	shalt  }
0x5c: {  	_ =	shalt  }
0x5d: {  	_ =	shalt  }
0x5e: {  	_ =	shalt  }
0x5f: {  	_ =	shalt  }
0x60: {  	_ =	shalt  }
0x61: {  	_ =	shalt  }
0x62: {  	_ =	shalt  }
0x63: {  	_ =	shalt  }
0x64: {  	_ =	shalt  }
0x65: {  	_ =	shalt  }
0x66: {  	_ =	shalt  }
0x67: {  	_ =	shalt  }
0x68: {  	_ =	shalt  }
0x69: {  	_ =	shalt  }
0x6a: {  	_ =	shalt  }
0x6b: {  	_ =	shalt  }
0x6c: {  	_ =	shalt  }
0x6d: {  	_ =	shalt  }
0x6e: {  	_ =	shalt  }
0x6f: {  	_ =	shalt  }
0x70: {  	_ =	shalt  }
0x71: {  	_ =	shalt  }
0x72: {  	_ =	shalt  }
0x73: {  	_ =	shalt  }
0x74: {  	_ =	shalt  }
0x75: {  	_ =	shalt  }
0x76: {  	_ =	shalt  }
0x77: {  	_ =	shalt  }
0x78: {  	_ =	shalt  }
0x79: {  	_ =	shalt  }
0x7a: {  	_ =	shalt  }
0x7b: {  	_ =	shalt  }
0x7c: {  	_ =	shalt  }
0x7d: {  	_ =	shalt  }
0x7e: {  	_ =	shalt  }
0x7f: {  	_ =	shalt  }
0x80: {  	_ =	shalt  }
0x81: {  	_ =	shalt  }
0x82: {  	_ =	shalt  }
0x83: {  	_ =	shalt  }
0x84: {  	_ =	shalt  }
0x85: {  	_ =	shalt  }
0x86: {  	_ =	shalt  }
0x87: {  	_ =	shalt  }
.Lfunc_end0:
.L_simem_size_0:
called_computation_lowered:
.L_overlay_start_0:
0x88: {  	s2 =	sld [smem:$0x3FD9]  }
0x89: {  	s3 =	sld [smem:$0x3FFE];
	_ =	sdelay $0x1  }
0x8a: {  	s1 =	srdreg.scid  }
0x8b: {  	s0 =	sand.u32 $0x1, s1  }
0x8c: {  	s17 =	sshll.u32 s0, $0xA;
	s2 =	sadd.s32 s3, s2  }
0x8d: {  	s2 =	sadd.s32 s2, s17  }
0x8e: {  	[smem:$0x3FC7] =	sst s2  }
0x8f: {  	_ = 	snop  }
0x90: {  	s2 =	sld [smem:$0x3FC9];
	(tm) =	ssettm $0x1  }
0x91: {  	s18 =	sld [smem:$0x3FFB];
	_ =	sdelay $0x3  }
0x92: {  	_ =	strace s18  }
0x93: {  	s3 =	sld [smem:$0x3FFC];
	_ =	sdelay $0x3  }
0x94: {  	_ =	strace s3  }
0x95: {  	s3 =	sld [smem:$0x3FFD];
	_ =	sdelay $0x3  }
0x96: {  	_ =	strace s3  }
0x97: {  	_ =	strace $0x8FFFFFFF  }
0x98: {  	s19 =	sld [smem:$0x3FDB];
	_ =	sdelay $0x1  }
0x99: {  	s4 =	simm.s32 $_scs_section_size  }
0x9a: {  	s5 =	simm.s32 $_size__tile_overlayer_lowered;
	s6 =	simm.s32 $_tile_overlayer_lowered  }
0x9b: {  	s22 =	simm.s32 $0x1BFF;
	s21 =	sshll.u32 s6, $0x1;
	s3 =	sadd.s32 s4, s19  }
0x9c: {  	s7 =	simm.s32 $0x0;
	s20 =	sshll.u32 s5, $0x1;
	s5 =	sadd.s32 s21, s3  }
0x9d: {  	[timem:s7], [sflag:s22] =	dma.local [hbm:s5], s20  }
0x9e: {  	_ =	swait.ge [sflag:s22], s20  }
0x9f: {  	s4 =	ssub.s32 $0x0, s20;
	[sflag:s22] =	ssyncset.done $0x0  }
0xa0: {  	[sflag:s22] =	ssyncadd.s32 s4;
	_ =	sdelay $0x1  }
0xa1: {  	s23 =	simm.s32 $0x1B8B  }
0xa2: {  	_ =	swait.ge [sflag:s23], $0x1  }
0xa3: {  	[sflag:s23] =	ssyncset.done $0x0  }
0xa4: {  	s25 =	simm.s32 $0x1B8E;
	s24 =	sld [smem:$0x3FFE];
	[sflag:s23] =	ssyncadd.s32 $0xFFFFFFFF  }
0xa5: {  	s26 =	simm.s32 $execute0_lowered;
	[smem:$0x3FD2] =	sst s25  }
0xa6: {  	s5 =	sshll.u32 s26, $0x1;
	_ =	strace $0x80000046;
	[dreg:$0x1] =	wrdreg $0xFFFFFFFF  }
0xa7: {  	s28 =	simm.s32 $_size_execute0_lowered;
	s3 =	sadd.s32 s3, s5;
	[dreg:$0x0] =	wrdreg $0x0  }
0xa8: {  	s5 =	sshll.u32 s28, $0x1;
	[dreg:$0x2] =	wrdreg s3  }
0xa9: {  	[dreg:$0x3] =	wrdreg s5  }
0xaa: {  	[dreg:$0x4] =	wrdreg $0xC0  }
0xab: {  	_ =	task [dreg:s7], $0x5FFFF  }
0xac: {  	[dreg:$0x1] =	wrdreg $0xFFFFFFFF  }
0xad: {  	[dreg:$0x0] =	wrdreg $0x60  }
0xae: {  	[dreg:$0x2] =	wrdreg s2  }
0xaf: {  	[dreg:$0x3] =	wrdreg s24  }
0xb0: {  	[dreg:$0x4] =	wrdreg $0x9  }
0xb1: {  	_ =	task.clear_ibuf [dreg:s7], $0x5FFFF;
	_ =	strace $0x90000046  }
0xb2: {  	s29 =	simm.s32 $0x9;
	_ =	strace $0x80000048  }
0xb3: {  	_ =	swait.ge [sflag:s29], $0x1  }
0xb4: {  	[sflag:s29] =	ssyncadd.s32 $0xFFFFFFFF  }
0xb5: {  	_ =	strace $0x90000048  }
0xb6: {  	_ =	sfence  }
0xb7: {  	s30 =	sld [smem:$0x0];
	_ =	sdelay $0x2  }
0xb8: {  	s31 =	sshll.u32 s1, $0xD;
	s1 =	sshrl.u32 s1, $0x2  }
0xb9: {  	s3 =	sand.u32 $0x4000, s31;
	s1 =	sadd.s32 s1, s30  }
0xba: {  	s0 =	sor.u32 s3, s0;
	s1 =	sshll.u32 s1, $0x11  }
0xbb: {  	s0 =	sor.u32 s1, s0  }
0xbc: {  	s0 =	sadd.s32 $0x8F2B, s0  }
0xbd: {  	[sflag:s0] =	ssyncadd.remote.s32 $0x1  }
0xbe: {  	_ =	sfence.sel $0xFFFF  }
0xbf: {  	[dreg:$0x0] =	wrdreg $0xFFFFFFFF;
	(pc) =	sbr.abs _section_cstart, $3  }
0xc0: {  	[dreg:$0x1] =	wrdreg $0xFFFFFFFF  }
0xc1: {  	_ =	task.clear_ibuf [dreg:s7], $0x2FFFF;
	_ =	strace $0x9FFFFFFF  }
0xc2: {  	(tm) =	ssettm $0x7FFFFFFF  }
0xc3: {  	_ =	shalt  }
tec
execute0_lowered:
.L_overlay_start_1:
0x0: {  	(tag) =	ssettag $0x1  }
0x1: {  	s2 =	rddreg [dreg:$0x0]  }
0x2: {  	s4 =	rddreg [dreg:$0x1]  }
0x3: {  	s0 =	rddreg [dreg:$0x2];
	s5 =	srdreg.scid  }
0x4: {  	s1 =	stileid.u32;
	s3 =	simm.s32 $0x0;
	s13 =	simm.s32 $0x8000  }
0x5: {  	s14 =	simm.s32 $0x1;
	s15 =	simm.s32 $0x2;
	s16 =	simm.s32 $0x10000  }
0x6: {  	s17 =	simm.s32 $0x3;
	s18 =	simm.s32 $0x10080;
	s19 =	simm.s32 $0x0  }
0x7: {  	v0 =	vlaneseq.u32;
	s8 =	sand.u32 $0x1, s5;
	s28 =	sshll.u32 s1, $0x1;
	[smem:$0x7FF] =	sst s3  }
0x8: {  	v1 =	vmul.u32 $0x2, v0;
	s31 =	sshll.u32 s1, $0x13;
	s5 =	sor.u32 s8, s28;
	_ =	strace $0x80000047  }
0x9: {  	s29 =	ssub.s32 $0x2, s8;
	s12 =	sshll.u32 s8, $0x12;
	s6 =	sshll.u32 s5, $0x4  }
.Ltmp0:
0xa: {  	s30 =	sshll.u32 s5, $0x11;
	s7 =	sshrl.u32 s29, $0x1;
	v3 =	vor.u32 $0x20, v1;
	v8 =	vor.u32 $0xE0, v1;
	(pc) =	sbr.rel .LBB2_1-.Ltmp0, $4  }
0xb: {  	s10 =	sshll.u32 s5, $0x14;
	v4 =	vor.u32 $0xA0, v1;
	s9 =	sadd.s32 s6, s4;
	s4 =	sadd.s32 s2, s30  }
0xc: {  	v2 =	vor.u32 $0x80, v1;
	v5 =	vor.u32 $0x40, v1;
	s11 =	ssub.s32 s29, s7;
	s6 =	sor.u32 $0x10000, s10;
	s7 =	sor.u32 $0x18000, s10  }
0xd: {  	v9 =	vor.u32 $0x10, v0;
	v6 =	vor.u32 $0xC0, v1;
	s10 =	sor.u32 s12, s31;
	s5 =	sadd.s32 $0x1000, s4;
	s8 =	sadd.s32 $0xC00, s9  }
0xe: {  	v10 =	vor.u32 $0x20, v0;
	v11 =	vor.u32 $0x30, v0;
	v7 =	vor.u32 $0x60, v1;
	s9 =	sadd.s32 $0xE00, s9;
	s11 =	smax.u32 s11, $0x1;
	s12 =	sor.u32 $0x2000, s10  }
.LBB2_16:
0xf: {  	v12 =	vmov s20  }
0x10: {  	v63 =	vmov s24;
	[tilespmem:$0x10000] =	vst v12  }
0x11: {  	[tilespmem:$0x10080] =	vst v63  }
0x12: {  	[hbm4b:s8+s3] =	stream.linear.scatter [tilespmem:s16], [sflag:$0x3], $0x80, $0x38;
	[tilespmem:$0x10100] =	vst v63  }
0x13: {  	s19 =	sadd.s32 $0x1, s19;
	_ =	swait.ge [sflag:s17], $0x80  }
0x14: {  	p0 =	sne.s32 s19, s11;
	[sflag:s17] =	ssyncset.done $0x0  }
.Ltmp1:
0x15: {  	[sflag:s17] =	ssyncadd.s32 $0xFFFFFF80;
	(pc) =	sbr.rel @!p0 .LBB2_17-.Ltmp1, $4  }
0x16: {  	[hbm4b:s9+s3] =	stream.linear.scatter [tilespmem:s18], [sflag:$0x3], $0x80, $0x38;
	[tilespmem:$0x10100] =	vst v63  }
0x17: {  	_ =	swait.ge [sflag:s17], $0x80  }
0x18: {  	[sflag:s17] =	ssyncset.done $0x0  }
0x19: {  	[sflag:s17] =	ssyncadd.s32 $0xFFFFFF80  }
.LBB2_1:
0x1a: {  	[tilespmem:s3], [sflag:$0x1] =	stream.linear.gather [hbm4b:s4+s3], $0x8000, $0x38;
	[tilespmem:$0x10100] =	vst v63  }
0x1b: {  	s20 =	simm.f32 $+Inf;
	s21 =	smov.u32 s12  }
0x1c: {  	s22 =	smov.u32 s10;
	s24 =	simm.s32 $0x0;
	s23 =	simm.s32 $0x0  }
0x1d: {  	[tilespmem:s13], [sflag:$0x2] =	stream.linear.gather [hbm4b:s5+s3], $0x8000, $0x38;
	[tilespmem:$0x10100] =	vst v63  }
.LBB2_2:
0x1e: {  	_ = 	snop  }
0x1f: {  	_ =	swait.ge [sflag:s14], $0x8000  }
0x20: {  	[sflag:s14] =	ssyncset.done $0x0  }
0x21: {  	s26 =	simm.s32 $0x0;
	[sflag:s14] =	ssyncadd.s32 $0xFFFF8000  }
0x22: {  	v12 =	vld.idx.msk [tilespmem:v7+s26+$0x100], $0xffff  }
0x23: {  	v13 =	vld.idx.msk [tilespmem:v8+s26+$0x100], $0xffff  }
0x24: {  	v15 =	vld.idx.msk [tilespmem:v1+s26+$0x0], $0xffff  }
0x25: {  	v16 =	vld.idx.msk [tilespmem:v2+s26+$0x0], $0xffff  }
0x26: {  	v17 =	vld.idx.msk [tilespmem:v3+s26+$0x0], $0xffff  }
0x27: {  	v18 =	vld.idx.msk [tilespmem:v4+s26+$0x0], $0xffff  }
0x28: {  	v19 =	vld.idx.msk [tilespmem:v5+s26+$0x0], $0xffff  }
0x29: {  	v27 =	vld.idx.msk [tilespmem:v1+s26+$0x100], $0xffff  }
0x2a: {  	v22 =	vld.idx.msk [tilespmem:v6+s26+$0x0], $0xffff;
	_ =	sdelay $0x1  }
0x2b: {  	v14 =	vimm.f32 $+Inf;
	v25 =	vld.idx.msk [tilespmem:v8+s26+$0x0], $0xffff;
	v12 =	vand.u32 $0x7FFFFFFF, v12;
	v13 =	vand.u32 $0x7FFFFFFF, v13  }
0x2c: {  	v23 =	vld.idx.msk [tilespmem:v7+s26+$0x0], $0xffff;
	v15 =	vand.u32 $0x7FFFFFFF, v15;
	v12 =	vadd.f32 v13, v12;
	v13 =	vand.u32 $0x7FFFFFFF, v16  }
0x2d: {  	v20 =	vld.idx.msk [tilespmem:v2+s26+$0x100], $0xffff;
	v27 =	vand.u32 $0x7FFFFFFF, v27;
	v16 =	vand.u32 $0x7FFFFFFF, v18;
	v13 =	vadd.f32 v13, v15  }
0x2e: {  	v21 =	vld.idx.msk [tilespmem:v3+s26+$0x100], $0xffff;
	v18 =	vand.u32 $0x7FFFFFFF, v19;
	v19 =	vand.u32 $0x7FFFFFFF, v22;
	v15 =	vand.u32 $0x7FFFFFFF, v17  }
0x2f: {  	v24 =	vld.idx.msk [tilespmem:v5+s26+$0x100], $0xffff;
	v17 =	vadd.f32 v16, v15;
	v15 =	vmin.f32 v14, v13;
	v13 =	vadd.f32 v19, v18  }
0x30: {  	v22 =	vld.idx.msk [tilespmem:v4+s26+$0x100], $0xffff;
	v16 =	vmin.f32 v14, v12;
	v18 =	vand.u32 $0x7FFFFFFF, v25;
	v19 =	vimm.f32 $+Inf  }
0x31: {  	s25 =	simm.s32 $0x200;
	v25 =	vld.idx.msk [tilespmem:v6+s26+$0x100], $0xffff;
	v12 =	vmin.f32 v14, v17;
	v17 =	vand.u32 $0x7FFFFFFF, v23;
	v13 =	vmin.f32 v14, v13  }
0x32: {  	s26 =	simm.s32 $0x1000;
	v23 =	vld.idx.msk [tilespmem:v7+s25+$0x100], $0xffff;
	v26 =	vadd.f32 v18, v17;
	v17 =	vimm.f32 $+Inf;
	v18 =	vimm.f32 $+Inf  }
.LBB2_3:
0x33: {  	p0 =	sne.s32 s26, $0x1F800;
	v28 =	vld.idx.msk [tilespmem:v8+s25+$0x100], $0xffff;
	v20 =	vand.u32 $0x7FFFFFFF, v20  }
0x34: {  	v21 =	vand.u32 $0x7FFFFFFF, v21;
	v29 =	vld.idx.msk [tilespmem:v1+s25+$0x0], $0xffff;
	v14 =	vmin.f32 v14, v26;
	v20 =	vadd.f32 v20, v27  }
0x35: {  	v22 =	vand.u32 $0x7FFFFFFF, v22;
	v26 =	vld.idx.msk [tilespmem:v2+s25+$0x0], $0xffff  }
0x36: {  	v27 =	vld.idx.msk [tilespmem:v3+s25+$0x0], $0xffff;
	v17 =	vmin.f32 v17, v20;
	v20 =	vadd.f32 v22, v21;
	v21 =	vand.u32 $0x7FFFFFFF, v24  }
0x37: {  	v24 =	vand.u32 $0x7FFFFFFF, v25;
	v22 =	vld.idx.msk [tilespmem:v4+s25+$0x0], $0xffff  }
0x38: {  	v25 =	vld.idx.msk [tilespmem:v5+s25+$0x0], $0xffff;
	v18 =	vmin.f32 v18, v20;
	v20 =	vadd.f32 v24, v21  }
0x39: {  	v21 =	vand.u32 $0x7FFFFFFF, v23;
	v23 =	vand.u32 $0x7FFFFFFF, v28;
	v24 =	vld.idx.msk [tilespmem:v6+s25+$0x0], $0xffff  }
0x3a: {  	v28 =	vand.u32 $0x7FFFFFFF, v29;
	v21 =	vadd.f32 v23, v21;
	v29 =	vld.idx.msk [tilespmem:v7+s25+$0x0], $0xffff;
	v19 =	vmin.f32 v19, v20  }
0x3b: {  	v20 =	vand.u32 $0x7FFFFFFF, v26;
	v23 =	vld.idx.msk [tilespmem:v8+s25+$0x0], $0xffff  }
0x3c: {  	v26 =	vadd.f32 v20, v28;
	v27 =	vand.u32 $0x7FFFFFFF, v27;
	v16 =	vmin.f32 v16, v21;
	v28 =	vld.idx.msk [tilespmem:v1+s25+$0x100], $0xffff  }
0x3d: {  	v21 =	vand.u32 $0x7FFFFFFF, v22;
	v20 =	vld.idx.msk [tilespmem:v2+s25+$0x100], $0xffff  }
.Ltmp2:
0x3e: {  	v15 =	vmin.f32 v15, v26;
	v26 =	vadd.f32 v21, v27;
	v25 =	vand.u32 $0x7FFFFFFF, v25;
	v21 =	vld.idx.msk [tilespmem:v3+s25+$0x100], $0xffff;
	(pc) =	sbr.rel @p0 .LBB2_3-.Ltmp2, $4  }
0x3f: {  	v24 =	vand.u32 $0x7FFFFFFF, v24;
	v22 =	vld.idx.msk [tilespmem:v4+s25+$0x100], $0xffff  }
0x40: {  	v12 =	vmin.f32 v12, v26;
	v26 =	vadd.f32 v24, v25;
	v27 =	vand.u32 $0x7FFFFFFF, v29;
	v24 =	vld.idx.msk [tilespmem:v5+s25+$0x100], $0xffff  }
0x41: {  	v29 =	vand.u32 $0x7FFFFFFF, v23;
	v25 =	vld.idx.msk [tilespmem:v6+s25+$0x100], $0xffff;
	s25 =	sshra.s32 s26, $0x2  }
0x42: {  	s26 =	sadd.s32 $0x800, s26;
	v13 =	vmin.f32 v13, v26;
	v26 =	vadd.f32 v29, v27;
	v27 =	vand.u32 $0x7FFFFFFF, v28;
	v23 =	vld.idx.msk [tilespmem:v7+s25+$0x100], $0xffff  }
0x43: {  	_ =	sdelay $0x3  }
0x44: {  	v28 =	vld.idx.msk [tilespmem:v8+s25+$0x100], $0xffff  }
0x45: {  	v29 =	vld.idx.msk [tilespmem:v1+s25+$0x0], $0xffff  }
0x46: {  	v30 =	vld.idx.msk [tilespmem:v2+s25+$0x0], $0xffff  }
0x47: {  	v31 =	vld.idx.msk [tilespmem:v3+s25+$0x0], $0xffff  }
0x48: {  	v32 =	vld.idx.msk [tilespmem:v4+s25+$0x0], $0xffff  }
0x49: {  	v33 =	vld.idx.msk [tilespmem:v5+s25+$0x0], $0xffff  }
0x4a: {  	v34 =	vld.idx.msk [tilespmem:v6+s25+$0x0], $0xffff  }
0x4b: {  	v35 =	vld.idx.msk [tilespmem:v7+s25+$0x0], $0xffff  }
0x4c: {  	v20 =	vand.u32 $0x7FFFFFFF, v20;
	v44 =	vld.idx.msk [tilespmem:v8+s25+$0x0], $0xffff  }
0x4d: {  	v21 =	vand.u32 $0x7FFFFFFF, v21;
	v36 =	vld.idx.msk [tilespmem:v1+s25+$0x100], $0xffff;
	v20 =	vadd.f32 v20, v27;
	v22 =	vand.u32 $0x7FFFFFFF, v22  }
0x4e: {  	v46 =	vld.idx.msk [tilespmem:v2+s25+$0x100], $0xffff;
	v14 =	vmin.f32 v14, v26;
	v21 =	vadd.f32 v22, v21  }
0x4f: {  	v50 =	vld.idx.msk [tilespmem:v3+s25+$0x100], $0xffff;
	v24 =	vand.u32 $0x7FFFFFFF, v24;
	v25 =	vand.u32 $0x7FFFFFFF, v25;
	v17 =	vmin.f32 v17, v20  }
0x50: {  	v52 =	vld.idx.msk [tilespmem:v4+s25+$0x100], $0xffff;
	v45 =	vadd.f32 v25, v24;
	v23 =	vand.u32 $0x7FFFFFFF, v23;
	v18 =	vmin.f32 v18, v21  }
0x51: {  	v53 =	vld.idx.msk [tilespmem:v5+s25+$0x100], $0xffff;
	v47 =	vand.u32 $0x7FFFFFFF, v28;
	v48 =	vand.u32 $0x7FFFFFFF, v29;
	v49 =	vand.u32 $0x7FFFFFFF, v30  }
0x52: {  	v55 =	vld.idx.msk [tilespmem:v6+s25+$0x100], $0xffff;
	v54 =	vand.u32 $0x7FFFFFFF, v31;
	v56 =	vand.u32 $0x7FFFFFFF, v32;
	v57 =	vand.u32 $0x7FFFFFFF, v33  }
0x53: {  	v58 =	vand.u32 $0x7FFFFFFF, v34;
	v60 =	vand.u32 $0x7FFFFFFF, v35;
	v27 =	vand.u32 $0x7FFFFFFF, v44  }
0x54: {  	v61 =	vand.u32 $0x7FFFFFFF, v36;
	v24 =	vand.u32 $0x7FFFFFFF, v46;
	v62 =	vand.u32 $0x7FFFFFFF, v50  }
0x55: {  	v26 =	vand.u32 $0x7FFFFFFF, v52;
	v23 =	vadd.f32 v47, v23;
	v51 =	vadd.f32 v49, v48  }
0x56: {  	v20 =	vand.u32 $0x7FFFFFFF, v53;
	v21 =	vadd.f32 v56, v54;
	v59 =	vadd.f32 v58, v57  }
0x57: {  	v22 =	vand.u32 $0x7FFFFFFF, v55;
	v25 =	vadd.f32 v27, v60;
	v24 =	vadd.f32 v24, v61  }
0x58: {  	v19 =	vmin.f32 v19, v45;
	v63 =	vadd.f32 v26, v62;
	v20 =	vadd.f32 v22, v20  }
0x59: {  	v16 =	vmin.f32 v16, v23;
	v15 =	vmin.f32 v15, v51;
	v12 =	vmin.f32 v12, v21  }
0x5a: {  	v13 =	vmin.f32 v13, v59;
	v14 =	vmin.f32 v14, v25;
	v17 =	vmin.f32 v17, v24  }
0x5b: {  	v18 =	vmin.f32 v18, v63;
	v19 =	vmin.f32 v19, v20;
	v12 =	vmin.f32 v15, v12  }
0x5c: {  	v13 =	vmin.f32 v13, v14;
	v14 =	vmin.f32 v17, v18;
	v15 =	vmin.f32 v19, v16  }
0x5d: {  	v12 =	vmin.f32 v12, v13;
	v13 =	vmin.f32 v14, v15  }
0x5e: {  	v12 =	vmin.f32 v12, v13  }
0x5f: {  	(xrf0) =	vmin.scan.msk.f32 $0xffff, v12;
	_ =	sdelay $0x5  }
0x60: {  	v12, _, _ =	vpop (xrf0)  }
0x61: {  	(v2sf) =	vpush v12, $0xF;
	_ =	sdelay $0xe  }
0x62: {  	s26 =	spop (v2sf)  }
0x63: {  	p1 =	slt.f32 s26, s20  }
.Ltmp3:
0x64: {  	_ = 	snop;
	(pc) =	sbr.rel @!p1 .LBB2_8-.Ltmp3, $1  }
0x65: {  	_ =	sdelay $0x3  }
0x66: {  	_ =	sdelay $0x2  }
0x67: {  	s25 =	simm.s32 $0x0  }
0x68: {  	v13 =	vld.idx.msk [tilespmem:v1+s25+$0x0], $0xffff  }
0x69: {  	v14 =	vld.idx.msk [tilespmem:v2+s25+$0x0], $0xffff  }
0x6a: {  	v18 =	vld.idx.msk [tilespmem:v3+s25+$0x0], $0xffff  }
0x6b: {  	v19 =	vld.idx.msk [tilespmem:v4+s25+$0x0], $0xffff  }
0x6c: {  	v20 =	vld.idx.msk [tilespmem:v5+s25+$0x0], $0xffff  }
0x6d: {  	v22 =	vld.idx.msk [tilespmem:v6+s25+$0x0], $0xffff  }
0x6e: {  	v21 =	vimm.f32 $+Inf;
	s24 =	sadd.s32 $0x0, s22;
	v15 =	vld.idx.msk [tilespmem:v7+s25+$0x0], $0xffff;
	v13 =	vand.u32 $0x7FFFFFFF, v13;
	v14 =	vand.u32 $0x7FFFFFFF, v14  }
0x6f: {  	v23 =	vimm.s32 $0x0;
	v17 =	vor.u32 s24, v9;
	v16 =	vld.idx.msk [tilespmem:v8+s25+$0x0], $0xffff;
	v24 =	vadd.f32 v14, v13  }
0x70: {  	v25 =	vor.u32 s24, v0;
	s25 =	simm.s32 $0x100;
	v13 =	vand.u32 $0x7FFFFFFF, v18;
	v18 =	vand.u32 $0x7FFFFFFF, v19  }
0x71: {  	v20 =	vand.u32 $0x7FFFFFFF, v20;
	v14 =	vld.idx.msk [tilespmem:v1+s25+$0x0], $0xffff;
	v18 =	vadd.f32 v18, v13;
	vm0 =	vlt.f32 v24, v21  }
0x72: {  	s28 =	simm.s32 $0x40;
	s29 =	simm.s32 $0x80;
	v22 =	vand.u32 $0x7FFFFFFF, v22;
	v13 =	vld.idx.msk [tilespmem:v2+s25+$0x0], $0xffff;
	v21 =	vsel vm0, v24, v21;
	v19 =	vsel vm0, v25, v23  }
.LBB2_6:
0x73: {  	p0 =	sne.s32 s29, $0x1FC0;
	v23 =	vld.idx.msk [tilespmem:v3+s25+$0x0], $0xffff;
	vm0 =	vlt.f32 v18, v21;
	v20 =	vadd.f32 v22, v20;
	v15 =	vand.u32 $0x7FFFFFFF, v15  }
0x74: {  	v16 =	vand.u32 $0x7FFFFFFF, v16;
	v22 =	vld.idx.msk [tilespmem:v4+s25+$0x0], $0xffff;
	v18 =	vsel vm0, v18, v21;
	v17 =	vsel vm0, v17, v19  }
0x75: {  	v21 =	vor.u32 s24, v10;
	v24 =	vadd.f32 v16, v15;
	v19 =	vld.idx.msk [tilespmem:v5+s25+$0x0], $0xffff;
	vm0 =	vlt.f32 v20, v18  }
0x76: {  	v25 =	vld.idx.msk [tilespmem:v6+s25+$0x0], $0xffff;
	v18 =	vsel vm0, v20, v18;
	v17 =	vsel vm0, v21, v17  }
0x77: {  	v14 =	vand.u32 $0x7FFFFFFF, v14;
	v20 =	vor.u32 s24, v11;
	v15 =	vld.idx.msk [tilespmem:v7+s25+$0x0], $0xffff;
	vm0 =	vlt.f32 v24, v18  }
.Ltmp4:
0x78: {  	s24 =	sadd.s32 s28, s22;
	s28 =	smov.u32 s29;
	v13 =	vand.u32 $0x7FFFFFFF, v13;
	v16 =	vld.idx.msk [tilespmem:v8+s25+$0x0], $0xffff;
	v21 =	vsel vm0, v24, v18;
	v24 =	vsel vm0, v20, v17;
	(pc) =	sbr.rel @p0 .LBB2_6-.Ltmp4, $4  }
0x79: {  	v26 =	vadd.f32 v13, v14;
	v17 =	vor.u32 s24, v9  }
0x7a: {  	v27 =	vor.u32 s24, v0;
	v13 =	vand.u32 $0x7FFFFFFF, v23;
	s25 =	sadd.s32 $0x100, s25;
	v18 =	vand.u32 $0x7FFFFFFF, v22  }
0x7b: {  	vm0 =	vlt.f32 v26, v21;
	v18 =	vadd.f32 v18, v13;
	v20 =	vand.u32 $0x7FFFFFFF, v19;
	v14 =	vld.idx.msk [tilespmem:v1+s25+$0x0], $0xffff  }
0x7c: {  	s29 =	sadd.s32 $0x40, s29;
	v21 =	vsel vm0, v26, v21;
	v19 =	vsel vm0, v27, v24;
	v22 =	vand.u32 $0x7FFFFFFF, v25;
	v13 =	vld.idx.msk [tilespmem:v2+s25+$0x0], $0xffff  }
0x7d: {  	_ =	sdelay $0x3  }
0x7e: {  	vm0 =	vlt.f32 v18, v21;
	v20 =	vadd.f32 v22, v20;
	v47 =	vld.idx.msk [tilespmem:v3+s25+$0x0], $0xffff;
	v15 =	vand.u32 $0x7FFFFFFF, v15  }
0x7f: {  	v16 =	vand.u32 $0x7FFFFFFF, v16;
	v48 =	vld.idx.msk [tilespmem:v4+s25+$0x0], $0xffff;
	v51 =	vor.u32 s24, v10;
	v23 =	vor.u32 s24, v11  }
0x80: {  	v50 =	vld.idx.msk [tilespmem:v5+s25+$0x0], $0xffff;
	s30 =	sadd.s32 s28, s22;
	v12 =	vbroadcast v12, $0xF;
	v18 =	vsel vm0, v18, v21;
	v15 =	vadd.f32 v16, v15  }
0x81: {  	v52 =	vld.idx.msk [tilespmem:v6+s25+$0x0], $0xffff;
	v49 =	vsel vm0, v17, v19;
	v56 =	vor.u32 s30, v0;
	vm1 =	vlt.f32 v20, v18  }
0x82: {  	v53 =	vld.idx.msk [tilespmem:v7+s25+$0x0], $0xffff;
	v18 =	vsel vm1, v20, v18;
	v14 =	vand.u32 $0x7FFFFFFF, v14;
	v13 =	vand.u32 $0x7FFFFFFF, v13  }
0x83: {  	v54 =	vld.idx.msk [tilespmem:v8+s25+$0x0], $0xffff;
	v16 =	vsel vm1, v51, v49;
	vm10 =	vlt.f32 v15, v18;
	v13 =	vadd.f32 v13, v14  }
0x84: {  	v15 =	vsel vm10, v15, v18;
	v22 =	vand.u32 $0x7FFFFFFF, v47;
	v21 =	vand.u32 $0x7FFFFFFF, v48  }
0x85: {  	v16 =	vsel vm10, v23, v16;
	v21 =	vadd.f32 v21, v22;
	vm11 =	vlt.f32 v13, v15  }
0x86: {  	v17 =	vand.u32 $0x7FFFFFFF, v50;
	v58 =	vand.u32 $0x7FFFFFFF, v52;
	v13 =	vsel vm11, v13, v15  }
0x87: {  	v57 =	vsel vm11, v56, v16;
	v16 =	vadd.f32 v58, v17;
	vm12 =	vlt.f32 v21, v13  }
0x88: {  	v59 =	vand.u32 $0x7FFFFFFF, v53;
	v60 =	vand.u32 $0x7FFFFFFF, v54;
	v13 =	vsel vm12, v21, v13  }
0x89: {  	v55 =	vor.u32 s30, v9;
	v15 =	vadd.f32 v60, v59;
	vm13 =	vlt.f32 v16, v13  }
0x8a: {  	v61 =	vor.u32 s30, v10;
	v14 =	vsel vm12, v55, v57;
	v13 =	vsel vm13, v16, v13  }
0x8b: {  	v62 =	vor.u32 s30, v11;
	v14 =	vsel vm13, v61, v14;
	vm14 =	vlt.f32 v15, v13  }
0x8c: {  	v13 =	vsel vm14, v15, v13;
	v14 =	vsel vm14, v62, v14  }
0x8d: {  	vm15 =	veq.f32 v13, v12;
	v63 =	vxor.u32 $0x80000000, v14  }
0x8e: {  	v12 =	vnsel vm15, $0xFFFFFFFF, v63  }
0x8f: {  	(xrf0) =	vmin.scan.msk.u32 $0xffff, v12;
	_ =	sdelay $0x5  }
0x90: {  	v12, _, _ =	vpop (xrf0)  }
0x91: {  	(v2sf) =	vpush v12, $0xF;
	_ =	sdelay $0xe  }
0x92: {  	s31 =	spop (v2sf)  }
0x93: {  	s24 =	sxor.u32 $0x80000000, s31  }
.LBB2_8:
0x94: {  	s25 =	sshll.u32 s23, $0x10;
	p0 =	seq.s32 s23, $0xF  }
0x95: {  	s28 =	sadd.s32 @!p0 s25, s6  }
0x96: {  	s28 =	sshrl.u32 @!p0 s28, $0x3  }
0x97: {  	s29 =	simm.s32 @!p0 $0x0;
	s28 =	sadd.s32 @!p0 s2, s28  }
0x98: {  	[tilespmem:s29], [sflag:$0x1] =	stream.linear.gather @!p0 [hbm4b:s28+s29], $0x8000, $0x38;
	[tilespmem:$0x10100] =	vst v63  }
0x99: {  	_ =	swait.ge [sflag:s15], $0x8000  }
0x9a: {  	[sflag:s15] =	ssyncset.done $0x0  }
0x9b: {  	s28 =	simm.s32 $0x0;
	[sflag:s15] =	ssyncadd.s32 $0xFFFF8000  }
0x9c: {  	v12 =	vld.idx.msk [tilespmem:v7+s28+$0x8100], $0xffff  }
0x9d: {  	v13 =	vld.idx.msk [tilespmem:v8+s28+$0x8100], $0xffff  }
0x9e: {  	v15 =	vld.idx.msk [tilespmem:v1+s28+$0x8000], $0xffff  }
0x9f: {  	v16 =	vld.idx.msk [tilespmem:v2+s28+$0x8000], $0xffff  }
0xa0: {  	v17 =	vld.idx.msk [tilespmem:v3+s28+$0x8000], $0xffff  }
0xa1: {  	v18 =	vld.idx.msk [tilespmem:v4+s28+$0x8000], $0xffff  }
0xa2: {  	v19 =	vld.idx.msk [tilespmem:v5+s28+$0x8000], $0xffff  }
0xa3: {  	v27 =	vld.idx.msk [tilespmem:v1+s28+$0x8100], $0xffff  }
0xa4: {  	v22 =	vld.idx.msk [tilespmem:v6+s28+$0x8000], $0xffff;
	_ =	sdelay $0x1  }
0xa5: {  	v14 =	vimm.f32 $+Inf;
	v25 =	vld.idx.msk [tilespmem:v8+s28+$0x8000], $0xffff;
	v12 =	vand.u32 $0x7FFFFFFF, v12;
	v13 =	vand.u32 $0x7FFFFFFF, v13  }
0xa6: {  	v23 =	vld.idx.msk [tilespmem:v7+s28+$0x8000], $0xffff;
	v15 =	vand.u32 $0x7FFFFFFF, v15;
	v12 =	vadd.f32 v13, v12;
	v13 =	vand.u32 $0x7FFFFFFF, v16  }
0xa7: {  	v20 =	vld.idx.msk [tilespmem:v2+s28+$0x8100], $0xffff;
	v27 =	vand.u32 $0x7FFFFFFF, v27;
	v16 =	vand.u32 $0x7FFFFFFF, v18;
	v13 =	vadd.f32 v13, v15  }
0xa8: {  	v21 =	vld.idx.msk [tilespmem:v3+s28+$0x8100], $0xffff;
	v18 =	vand.u32 $0x7FFFFFFF, v19;
	v19 =	vand.u32 $0x7FFFFFFF, v22;
	v15 =	vand.u32 $0x7FFFFFFF, v17  }
0xa9: {  	v24 =	vld.idx.msk [tilespmem:v5+s28+$0x8100], $0xffff;
	v17 =	vadd.f32 v16, v15;
	v15 =	vmin.f32 v14, v13;
	v13 =	vadd.f32 v19, v18  }
0xaa: {  	v22 =	vld.idx.msk [tilespmem:v4+s28+$0x8100], $0xffff;
	v16 =	vmin.f32 v14, v12;
	v18 =	vand.u32 $0x7FFFFFFF, v25;
	v19 =	vimm.f32 $+Inf  }
0xab: {  	v25 =	vld.idx.msk [tilespmem:v6+s28+$0x8100], $0xffff;
	s28 =	simm.s32 $0x200;
	v12 =	vmin.f32 v14, v17;
	v17 =	vand.u32 $0x7FFFFFFF, v23;
	v13 =	vmin.f32 v14, v13  }
0xac: {  	s20 =	smov.u32 @p1 s26;
	s26 =	simm.s32 $0x1000;
	v23 =	vld.idx.msk [tilespmem:v7+s28+$0x8100], $0xffff;
	v26 =	vadd.f32 v18, v17;
	v17 =	vimm.f32 $+Inf;
	v18 =	vimm.f32 $+Inf  }
.LBB2_9:
0xad: {  	p1 =	sne.s32 s26, $0x1F800;
	v28 =	vld.idx.msk [tilespmem:v8+s28+$0x8100], $0xffff;
	v20 =	vand.u32 $0x7FFFFFFF, v20  }
0xae: {  	v21 =	vand.u32 $0x7FFFFFFF, v21;
	v29 =	vld.idx.msk [tilespmem:v1+s28+$0x8000], $0xffff;
	v14 =	vmin.f32 v14, v26;
	v20 =	vadd.f32 v20, v27  }
0xaf: {  	v22 =	vand.u32 $0x7FFFFFFF, v22;
	v26 =	vld.idx.msk [tilespmem:v2+s28+$0x8000], $0xffff  }
0xb0: {  	v27 =	vld.idx.msk [tilespmem:v3+s28+$0x8000], $0xffff;
	v17 =	vmin.f32 v17, v20;
	v20 =	vadd.f32 v22, v21;
	v21 =	vand.u32 $0x7FFFFFFF, v24  }
0xb1: {  	v24 =	vand.u32 $0x7FFFFFFF, v25;
	v22 =	vld.idx.msk [tilespmem:v4+s28+$0x8000], $0xffff  }
0xb2: {  	v25 =	vld.idx.msk [tilespmem:v5+s28+$0x8000], $0xffff;
	v18 =	vmin.f32 v18, v20;
	v20 =	vadd.f32 v24, v21  }
0xb3: {  	v21 =	vand.u32 $0x7FFFFFFF, v23;
	v23 =	vand.u32 $0x7FFFFFFF, v28;
	v24 =	vld.idx.msk [tilespmem:v6+s28+$0x8000], $0xffff  }
0xb4: {  	v28 =	vand.u32 $0x7FFFFFFF, v29;
	v21 =	vadd.f32 v23, v21;
	v29 =	vld.idx.msk [tilespmem:v7+s28+$0x8000], $0xffff;
	v19 =	vmin.f32 v19, v20  }
0xb5: {  	v20 =	vand.u32 $0x7FFFFFFF, v26;
	v23 =	vld.idx.msk [tilespmem:v8+s28+$0x8000], $0xffff  }
0xb6: {  	v26 =	vadd.f32 v20, v28;
	v27 =	vand.u32 $0x7FFFFFFF, v27;
	v16 =	vmin.f32 v16, v21;
	v28 =	vld.idx.msk [tilespmem:v1+s28+$0x8100], $0xffff  }
0xb7: {  	v21 =	vand.u32 $0x7FFFFFFF, v22;
	v20 =	vld.idx.msk [tilespmem:v2+s28+$0x8100], $0xffff  }
.Ltmp5:
0xb8: {  	v15 =	vmin.f32 v15, v26;
	v26 =	vadd.f32 v21, v27;
	v25 =	vand.u32 $0x7FFFFFFF, v25;
	v21 =	vld.idx.msk [tilespmem:v3+s28+$0x8100], $0xffff;
	(pc) =	sbr.rel @p1 .LBB2_9-.Ltmp5, $4  }
0xb9: {  	v24 =	vand.u32 $0x7FFFFFFF, v24;
	v22 =	vld.idx.msk [tilespmem:v4+s28+$0x8100], $0xffff  }
0xba: {  	v12 =	vmin.f32 v12, v26;
	v26 =	vadd.f32 v24, v25;
	v27 =	vand.u32 $0x7FFFFFFF, v29;
	v24 =	vld.idx.msk [tilespmem:v5+s28+$0x8100], $0xffff  }
0xbb: {  	v29 =	vand.u32 $0x7FFFFFFF, v23;
	v25 =	vld.idx.msk [tilespmem:v6+s28+$0x8100], $0xffff;
	s28 =	sshra.s32 s26, $0x2  }
0xbc: {  	s26 =	sadd.s32 $0x800, s26;
	v13 =	vmin.f32 v13, v26;
	v26 =	vadd.f32 v29, v27;
	v27 =	vand.u32 $0x7FFFFFFF, v28;
	v23 =	vld.idx.msk [tilespmem:v7+s28+$0x8100], $0xffff  }
0xbd: {  	_ =	sdelay $0x3  }
0xbe: {  	v28 =	vld.idx.msk [tilespmem:v8+s28+$0x8100], $0xffff  }
0xbf: {  	v29 =	vld.idx.msk [tilespmem:v1+s28+$0x8000], $0xffff  }
0xc0: {  	v30 =	vld.idx.msk [tilespmem:v2+s28+$0x8000], $0xffff  }
0xc1: {  	v31 =	vld.idx.msk [tilespmem:v3+s28+$0x8000], $0xffff  }
0xc2: {  	v32 =	vld.idx.msk [tilespmem:v4+s28+$0x8000], $0xffff  }
0xc3: {  	v33 =	vld.idx.msk [tilespmem:v5+s28+$0x8000], $0xffff  }
0xc4: {  	v34 =	vld.idx.msk [tilespmem:v6+s28+$0x8000], $0xffff  }
0xc5: {  	v35 =	vld.idx.msk [tilespmem:v7+s28+$0x8000], $0xffff  }
0xc6: {  	v20 =	vand.u32 $0x7FFFFFFF, v20;
	v44 =	vld.idx.msk [tilespmem:v8+s28+$0x8000], $0xffff  }
0xc7: {  	v21 =	vand.u32 $0x7FFFFFFF, v21;
	v36 =	vld.idx.msk [tilespmem:v1+s28+$0x8100], $0xffff;
	v20 =	vadd.f32 v20, v27;
	v22 =	vand.u32 $0x7FFFFFFF, v22  }
0xc8: {  	v46 =	vld.idx.msk [tilespmem:v2+s28+$0x8100], $0xffff;
	v14 =	vmin.f32 v14, v26;
	v21 =	vadd.f32 v22, v21  }
0xc9: {  	v50 =	vld.idx.msk [tilespmem:v3+s28+$0x8100], $0xffff;
	v24 =	vand.u32 $0x7FFFFFFF, v24;
	v25 =	vand.u32 $0x7FFFFFFF, v25;
	v17 =	vmin.f32 v17, v20  }
0xca: {  	v52 =	vld.idx.msk [tilespmem:v4+s28+$0x8100], $0xffff;
	v45 =	vadd.f32 v25, v24;
	v23 =	vand.u32 $0x7FFFFFFF, v23;
	v18 =	vmin.f32 v18, v21  }
0xcb: {  	v53 =	vld.idx.msk [tilespmem:v5+s28+$0x8100], $0xffff;
	v47 =	vand.u32 $0x7FFFFFFF, v28;
	v48 =	vand.u32 $0x7FFFFFFF, v29;
	v49 =	vand.u32 $0x7FFFFFFF, v30  }
0xcc: {  	v55 =	vld.idx.msk [tilespmem:v6+s28+$0x8100], $0xffff;
	v54 =	vand.u32 $0x7FFFFFFF, v31;
	v56 =	vand.u32 $0x7FFFFFFF, v32;
	v57 =	vand.u32 $0x7FFFFFFF, v33  }
0xcd: {  	v58 =	vand.u32 $0x7FFFFFFF, v34;
	v60 =	vand.u32 $0x7FFFFFFF, v35;
	v27 =	vand.u32 $0x7FFFFFFF, v44  }
0xce: {  	v61 =	vand.u32 $0x7FFFFFFF, v36;
	v24 =	vand.u32 $0x7FFFFFFF, v46;
	v62 =	vand.u32 $0x7FFFFFFF, v50  }
0xcf: {  	v26 =	vand.u32 $0x7FFFFFFF, v52;
	v23 =	vadd.f32 v47, v23;
	v51 =	vadd.f32 v49, v48  }
0xd0: {  	v20 =	vand.u32 $0x7FFFFFFF, v53;
	v21 =	vadd.f32 v56, v54;
	v59 =	vadd.f32 v58, v57  }
0xd1: {  	v22 =	vand.u32 $0x7FFFFFFF, v55;
	v25 =	vadd.f32 v27, v60;
	v24 =	vadd.f32 v24, v61  }
0xd2: {  	v19 =	vmin.f32 v19, v45;
	v63 =	vadd.f32 v26, v62;
	v20 =	vadd.f32 v22, v20  }
0xd3: {  	v16 =	vmin.f32 v16, v23;
	v15 =	vmin.f32 v15, v51;
	v12 =	vmin.f32 v12, v21  }
0xd4: {  	v13 =	vmin.f32 v13, v59;
	v14 =	vmin.f32 v14, v25;
	v17 =	vmin.f32 v17, v24  }
0xd5: {  	v18 =	vmin.f32 v18, v63;
	v19 =	vmin.f32 v19, v20;
	v12 =	vmin.f32 v15, v12  }
0xd6: {  	v13 =	vmin.f32 v13, v14;
	v14 =	vmin.f32 v17, v18;
	v15 =	vmin.f32 v19, v16  }
0xd7: {  	v12 =	vmin.f32 v12, v13;
	v13 =	vmin.f32 v14, v15  }
0xd8: {  	v12 =	vmin.f32 v12, v13  }
0xd9: {  	(xrf0) =	vmin.scan.msk.f32 $0xffff, v12;
	_ =	sdelay $0x5  }
0xda: {  	v12, _, _ =	vpop (xrf0)  }
0xdb: {  	(v2sf) =	vpush v12, $0xF;
	_ =	sdelay $0xe  }
0xdc: {  	s26 =	spop (v2sf)  }
0xdd: {  	p1 =	slt.f32 s26, s20  }
.Ltmp6:
0xde: {  	_ = 	snop;
	(pc) =	sbr.rel @!p1 .LBB2_14-.Ltmp6, $1  }
0xdf: {  	_ =	sdelay $0x3  }
0xe0: {  	_ =	sdelay $0x2  }
0xe1: {  	s28 =	simm.s32 $0x8000  }
0xe2: {  	v13 =	vld.idx.msk [tilespmem:v1+s28+$0x0], $0xffff  }
0xe3: {  	v14 =	vld.idx.msk [tilespmem:v2+s28+$0x0], $0xffff  }
0xe4: {  	v18 =	vld.idx.msk [tilespmem:v3+s28+$0x0], $0xffff  }
0xe5: {  	v19 =	vld.idx.msk [tilespmem:v4+s28+$0x0], $0xffff  }
0xe6: {  	v20 =	vld.idx.msk [tilespmem:v5+s28+$0x0], $0xffff  }
0xe7: {  	v22 =	vld.idx.msk [tilespmem:v6+s28+$0x0], $0xffff  }
0xe8: {  	v21 =	vimm.f32 $+Inf;
	s24 =	sadd.s32 $0x0, s21;
	v15 =	vld.idx.msk [tilespmem:v7+s28+$0x0], $0xffff;
	v13 =	vand.u32 $0x7FFFFFFF, v13;
	v14 =	vand.u32 $0x7FFFFFFF, v14  }
0xe9: {  	v23 =	vimm.s32 $0x0;
	v17 =	vor.u32 s24, v9;
	v16 =	vld.idx.msk [tilespmem:v8+s28+$0x0], $0xffff;
	v24 =	vadd.f32 v14, v13  }
0xea: {  	v25 =	vor.u32 s24, v0;
	s28 =	simm.s32 $0x8100;
	v13 =	vand.u32 $0x7FFFFFFF, v18;
	v18 =	vand.u32 $0x7FFFFFFF, v19  }
0xeb: {  	v20 =	vand.u32 $0x7FFFFFFF, v20;
	v14 =	vld.idx.msk [tilespmem:v1+s28+$0x0], $0xffff;
	v18 =	vadd.f32 v18, v13;
	vm0 =	vlt.f32 v24, v21  }
0xec: {  	s29 =	simm.s32 $0x40;
	s30 =	simm.s32 $0x80;
	v22 =	vand.u32 $0x7FFFFFFF, v22;
	v13 =	vld.idx.msk [tilespmem:v2+s28+$0x0], $0xffff;
	v21 =	vsel vm0, v24, v21;
	v19 =	vsel vm0, v25, v23  }
.LBB2_12:
0xed: {  	p2 =	sne.s32 s30, $0x1FC0;
	v23 =	vld.idx.msk [tilespmem:v3+s28+$0x0], $0xffff;
	vm0 =	vlt.f32 v18, v21;
	v20 =	vadd.f32 v22, v20;
	v15 =	vand.u32 $0x7FFFFFFF, v15  }
0xee: {  	v16 =	vand.u32 $0x7FFFFFFF, v16;
	v22 =	vld.idx.msk [tilespmem:v4+s28+$0x0], $0xffff;
	v18 =	vsel vm0, v18, v21;
	v17 =	vsel vm0, v17, v19  }
0xef: {  	v21 =	vor.u32 s24, v10;
	v24 =	vadd.f32 v16, v15;
	v19 =	vld.idx.msk [tilespmem:v5+s28+$0x0], $0xffff;
	vm0 =	vlt.f32 v20, v18  }
0xf0: {  	v25 =	vld.idx.msk [tilespmem:v6+s28+$0x0], $0xffff;
	v18 =	vsel vm0, v20, v18;
	v17 =	vsel vm0, v21, v17  }
0xf1: {  	v14 =	vand.u32 $0x7FFFFFFF, v14;
	v20 =	vor.u32 s24, v11;
	v15 =	vld.idx.msk [tilespmem:v7+s28+$0x0], $0xffff;
	vm0 =	vlt.f32 v24, v18  }
.Ltmp7:
0xf2: {  	s24 =	sadd.s32 s29, s21;
	s29 =	smov.u32 s30;
	v13 =	vand.u32 $0x7FFFFFFF, v13;
	v16 =	vld.idx.msk [tilespmem:v8+s28+$0x0], $0xffff;
	v21 =	vsel vm0, v24, v18;
	v24 =	vsel vm0, v20, v17;
	(pc) =	sbr.rel @p2 .LBB2_12-.Ltmp7, $4  }
0xf3: {  	v26 =	vadd.f32 v13, v14;
	v17 =	vor.u32 s24, v9  }
0xf4: {  	v27 =	vor.u32 s24, v0;
	v13 =	vand.u32 $0x7FFFFFFF, v23;
	s28 =	sadd.s32 $0x100, s28;
	v18 =	vand.u32 $0x7FFFFFFF, v22  }
0xf5: {  	vm0 =	vlt.f32 v26, v21;
	v18 =	vadd.f32 v18, v13;
	v20 =	vand.u32 $0x7FFFFFFF, v19;
	v14 =	vld.idx.msk [tilespmem:v1+s28+$0x0], $0xffff  }
0xf6: {  	s30 =	sadd.s32 $0x40, s30;
	v21 =	vsel vm0, v26, v21;
	v19 =	vsel vm0, v27, v24;
	v22 =	vand.u32 $0x7FFFFFFF, v25;
	v13 =	vld.idx.msk [tilespmem:v2+s28+$0x0], $0xffff  }
0xf7: {  	_ =	sdelay $0x3  }
0xf8: {  	vm0 =	vlt.f32 v18, v21;
	v20 =	vadd.f32 v22, v20;
	v47 =	vld.idx.msk [tilespmem:v3+s28+$0x0], $0xffff;
	v15 =	vand.u32 $0x7FFFFFFF, v15  }
0xf9: {  	v16 =	vand.u32 $0x7FFFFFFF, v16;
	v48 =	vld.idx.msk [tilespmem:v4+s28+$0x0], $0xffff;
	v51 =	vor.u32 s24, v10;
	v23 =	vor.u32 s24, v11  }
0xfa: {  	v50 =	vld.idx.msk [tilespmem:v5+s28+$0x0], $0xffff;
	s30 =	sadd.s32 s29, s21;
	v12 =	vbroadcast v12, $0xF;
	v18 =	vsel vm0, v18, v21;
	v15 =	vadd.f32 v16, v15  }
0xfb: {  	v52 =	vld.idx.msk [tilespmem:v6+s28+$0x0], $0xffff;
	v49 =	vsel vm0, v17, v19;
	v56 =	vor.u32 s30, v0;
	vm1 =	vlt.f32 v20, v18  }
0xfc: {  	v53 =	vld.idx.msk [tilespmem:v7+s28+$0x0], $0xffff;
	v18 =	vsel vm1, v20, v18;
	v14 =	vand.u32 $0x7FFFFFFF, v14;
	v13 =	vand.u32 $0x7FFFFFFF, v13  }
0xfd: {  	v54 =	vld.idx.msk [tilespmem:v8+s28+$0x0], $0xffff;
	v16 =	vsel vm1, v51, v49;
	vm10 =	vlt.f32 v15, v18;
	v13 =	vadd.f32 v13, v14  }
0xfe: {  	v15 =	vsel vm10, v15, v18;
	v22 =	vand.u32 $0x7FFFFFFF, v47;
	v21 =	vand.u32 $0x7FFFFFFF, v48  }
0xff: {  	v16 =	vsel vm10, v23, v16;
	v21 =	vadd.f32 v21, v22;
	vm11 =	vlt.f32 v13, v15  }
0x100: {  	v17 =	vand.u32 $0x7FFFFFFF, v50;
	v58 =	vand.u32 $0x7FFFFFFF, v52;
	v13 =	vsel vm11, v13, v15  }
0x101: {  	v57 =	vsel vm11, v56, v16;
	v16 =	vadd.f32 v58, v17;
	vm12 =	vlt.f32 v21, v13  }
0x102: {  	v59 =	vand.u32 $0x7FFFFFFF, v53;
	v60 =	vand.u32 $0x7FFFFFFF, v54;
	v13 =	vsel vm12, v21, v13  }
0x103: {  	v55 =	vor.u32 s30, v9;
	v15 =	vadd.f32 v60, v59;
	vm13 =	vlt.f32 v16, v13  }
0x104: {  	v61 =	vor.u32 s30, v10;
	v14 =	vsel vm12, v55, v57;
	v13 =	vsel vm13, v16, v13  }
0x105: {  	v62 =	vor.u32 s30, v11;
	v14 =	vsel vm13, v61, v14;
	vm14 =	vlt.f32 v15, v13  }
0x106: {  	v13 =	vsel vm14, v15, v13;
	v14 =	vsel vm14, v62, v14  }
0x107: {  	vm15 =	veq.f32 v13, v12;
	v63 =	vxor.u32 $0x80000000, v14  }
0x108: {  	v12 =	vnsel vm15, $0xFFFFFFFF, v63  }
0x109: {  	(xrf0) =	vmin.scan.msk.u32 $0xffff, v12;
	_ =	sdelay $0x5  }
0x10a: {  	v12, _, _ =	vpop (xrf0)  }
0x10b: {  	(v2sf) =	vpush v12, $0xF;
	_ =	sdelay $0xe  }
0x10c: {  	s31 =	spop (v2sf)  }
0x10d: {  	s24 =	sxor.u32 $0x80000000, s31  }
.LBB2_14:
.Ltmp8:
0x10e: {  	(pc) =	sbr.rel @p0 .LBB2_16-.Ltmp8, $2  }
0x10f: {  	_ =	sdelay $0x2  }
0x110: {  	s20 =	smov.u32 @p1 s26  }
.Ltmp9:
0x111: {  	(pc) =	sbr.rel .LBB2_2-.Ltmp9, $4  }
0x112: {  	s25 =	sadd.s32 s25, s7  }
0x113: {  	s23 =	sadd.s32 $0x1, s23;
	s25 =	sshrl.u32 s25, $0x3  }
0x114: {  	s22 =	sadd.s32 $0x4000, s22;
	s21 =	sadd.s32 $0x4000, s21;
	s25 =	sadd.s32 s2, s25  }
0x115: {  	[tilespmem:s13], [sflag:$0x2] =	stream.linear.gather [hbm4b:s25+s3], $0x8000, $0x38;
	[tilespmem:$0x10100] =	vst v63  }
.LBB2_17:
0x116: {  	_ =	sfence.sel $0x180000  }
0x117: {  	[bflag:$0x0] =	sbarrier.arrive $0xFFFF  }
0x118: {  	p0 =	sne.s32 s1, $0x0;
	_ =	strace $0x90000047  }
0x119: {  	s0 =	sadd.s32 @!p0 $0x100000, s0;
	[bflag:$0x2] =	sbarrier.arrive $0xFFFF  }
0x11a: {  	[sflag:s0] =	ssyncadd.tile.s32 @!p0 $0x1;
	_ =	shalt  }
.Lfunc_end2:
_tile_overlayer_lowered:
.L_overlay_start_2:
0x11b: {  	(tag) =	ssettag $0x2  }
0x11c: {  	s0 =	rddreg [dreg:$0x0];
	s2 =	stileid.u32  }
0x11d: {  	s1 =	rddreg [dreg:$0x1];
	p0 =	sne.s32 s2, $0x0  }
0x11e: {  	s3 =	rddreg [dreg:$0x2];
	[bflag:$0x3] =	sbarrier.arrive $0xFFFF;
	s2 =	simm.s32 @!p0 $0x1C03  }
0x11f: {  	[timem:s3], [sflag:s2] =	dma.local @!p0 [hbm:s0], s1  }
0x120: {  	s0 =	simm.s32 @!p0 $0x3  }
0x121: {  	_ =	swait.ge @!p0 [sflag:s0], s1  }
0x122: {  	s1 =	ssub.s32 @!p0 $0x0, s1;
	[sflag:s0] =	ssyncset.done @!p0 $0x0  }
0x123: {  	[sflag:s0] =	ssyncadd.s32 @!p0 s1  }
0x124: {  	[bflag:$0x3] =	sbarrier.arrive $0xFFFF  }
0x125: {  	_ =	shalt  }

// kernel: kernel.7.cloned.1.call-start
scs
__scs_entry_jumppad:
0x0: {  	(pc) =	sbr.rel $0x88, $3  }
0x1: {  	(tag) =	ssettag $0x0;
	lr =	simm.s32 $0x1  }
0x2: {  	[smem:$0x3FA0] =	sst lr;
	_ =	strace $0xD0000000  }
0x3: {  	_ = 	snop  }
0x4: {  	_ = 	snop  }
0x5: {  	_ = 	snop  }
0x6: {  	_ = 	snop  }
0x7: {  	_ = 	snop  }
__scs_overlays_trampoline_lowered:
0x8: {  	[smem:$0x3FAF] =	sst s0  }
0x9: {  	[smem:$0x3FB0] =	sst s1  }
0xa: {  	[smem:$0x3FB1] =	sst s2  }
0xb: {  	[smem:$0x3FB2] =	sst s3  }
0xc: {  	[smem:$0x3FB3] =	sst s4  }
0xd: {  	[smem:$0x3FB4] =	sst s5  }
0xe: {  	[smem:$0x3FB5] =	sst s6  }
0xf: {  	[smem:$0x3FB6] =	sst s7  }
0x10: {  	[smem:$0x3FB7] =	sst s8  }
0x11: {  	[smem:$0x3FB8] =	sst s9;
	s0 =	simm.s32 @!p0 $0x0  }
0x12: {  	s1 =	sld [smem:$0x3F9E];
	s0 =	simm.s32 @p0 $0x1  }
0x13: {  	[smem:$0x3FB9] =	sst s0;
	s0 =	simm.s32 @!p1 $0x0  }
0x14: {  	s2 =	sld [smem:$0x3F9D];
	s0 =	simm.s32 @p1 $0x1  }
0x15: {  	[smem:$0x3FBA] =	sst s0;
	s0 =	simm.s32 @!p2 $0x0  }
0x16: {  	s3 =	sld [smem:$0x3FDB];
	s0 =	simm.s32 @p2 $0x1  }
0x17: {  	s4 =	simm.s32 $0x1BF5;
	[smem:$0x3FBC] =	sst s0  }
0x18: {  	s0 =	sld [smem:$0x3F9F];
	_ =	swait.ge [sflag:s4], $0x0  }
0x19: {  	s7 =	sld [smem:$0x3FA0]  }
0x1a: {  	s8 =	sadd.s32 $0xFFFFE003, lr  }
0x1b: {  	s9 =	sadd.s32 $0xFFFFFEF7, lr;
	s5 =	simm.s32 $0xFFFFFFFF;
	p2 =	slt.u32 s8, $0xFFFFF086  }
0x1c: {  	p1 =	slt.u32 s9, $0xF7A;
	s5 =	simm.s32 @!p2 $0x0  }
0x1d: {  	s5 =	simm.s32 @p1 $0x1;
	p0 =	seq.s32 s7, s2  }
0x1e: {  	s7 =	smul.u32 @!p0 $0xF7A, s2;
	p2 =	seq.s32 @!p0 s5, $0x0  }
0x1f: {  	s9 =	smul.u32 $0xF7A, s1;
	s8 =	simm.s32 @!p0 $0x1BF5;
	p2 =	por !p2, p0  }
0x20: {  	[sflag:s8] =	ssyncset.s32 @!p0 $0xFFFFF086;
	s6 =	sadd.s32 @!p0 s3, s7;
	s7 =	simm.s32 @!p0 $0x108  }
0x21: {  	s3 =	sadd.s32 s3, s9;
	s6 =	sadd.s32 @!p0 $0x88, s6;
	s7 =	simm.s32 @p2 $0x1082  }
0x22: {  	[simem:s7], [sflag:s8] =	dma.local @!p0 [hbm:s6], $0xF7A  }
0x23: {  	s9 =	sor.u32 $0xD0000000, s2;
	s6 =	simm.s32 $0x108;
	_ =	swait.ge @!p0 [sflag:s8], $0x0  }
0x24: {  	s3 =	sadd.s32 $0x88, s3;
	s6 =	simm.s32 @!p1 $0x1082;
	[sflag:s4] =	ssyncset.s32 $0xFFFFF086  }
0x25: {  	[simem:s6], [sflag:s4] =	dma.local [hbm:s3], $0xF7A  }
0x26: {  	[smem:$0x3FA0] =	sst s1;
	(tag) =	ssettag s2;
	_ =	strace s9  }
0x27: {  	s1 =	sld [smem:$0x3FB0]  }
0x28: {  	s2 =	sld [smem:$0x3FB1]  }
0x29: {  	s4 =	sld [smem:$0x3FB3]  }
0x2a: {  	p0 =	seq.s32 s5, $0x0;
	s5 =	sld [smem:$0x3FB4]  }
0x2b: {  	s6 =	sld [smem:$0x3FB5]  }
0x2c: {  	s7 =	sld [smem:$0x3FB6]  }
0x2d: {  	s3 =	simm.s32 $0x108;
	s8 =	sld [smem:$0x3FB7]  }
0x2e: {  	s3 =	simm.s32 @!p0 $0x1082;
	s9 =	sld [smem:$0x3FB8]  }
0x2f: {  	lr =	sadd.s32 s0, s3;
	s0 =	sld [smem:$0x3FAF]  }
0x30: {  	s3 =	sld [smem:$0x3FB2]  }
0x31: {  	[smem:$0x3FBB] =	sst s10  }
0x32: {  	s10 =	sld [smem:$0x3FB9];
	_ =	sdelay $0x3  }
0x33: {  	p0 =	seq.s32 s10, $0x1;
	s10 =	sld [smem:$0x3FBB];
	_ =	sdelay $0x3  }
0x34: {  	[smem:$0x3FBB] =	sst s10  }
0x35: {  	s10 =	sld [smem:$0x3FBA];
	_ =	sdelay $0x3  }
0x36: {  	p1 =	seq.s32 s10, $0x1;
	s10 =	sld [smem:$0x3FBB];
	_ =	sdelay $0x3  }
0x37: {  	[smem:$0x3FBB] =	sst s10  }
0x38: {  	s10 =	sld [smem:$0x3FBC]  }
0x39: {  	_ = 	snop;
	(pc) =	sbr.ind lr, $3  }
0x3a: {  	_ = 	snop  }
0x3b: {  	_ = 	snop  }
0x3c: {  	p2 =	seq.s32 s10, $0x1;
	s10 =	sld [smem:$0x3FBB]  }
0x3d: {  	_ =	shalt  }
0x3e: {  	_ =	shalt  }
0x3f: {  	_ =	shalt  }
0x40: {  	_ =	shalt  }
0x41: {  	_ =	shalt  }
0x42: {  	_ =	shalt  }
0x43: {  	_ =	shalt  }
0x44: {  	_ =	shalt  }
0x45: {  	_ =	shalt  }
0x46: {  	_ =	shalt  }
0x47: {  	_ =	shalt  }
0x48: {  	_ =	shalt  }
0x49: {  	_ =	shalt  }
0x4a: {  	_ =	shalt  }
0x4b: {  	_ =	shalt  }
0x4c: {  	_ =	shalt  }
0x4d: {  	_ =	shalt  }
0x4e: {  	_ =	shalt  }
0x4f: {  	_ =	shalt  }
0x50: {  	_ =	shalt  }
0x51: {  	_ =	shalt  }
0x52: {  	_ =	shalt  }
0x53: {  	_ =	shalt  }
0x54: {  	_ =	shalt  }
0x55: {  	_ =	shalt  }
0x56: {  	_ =	shalt  }
0x57: {  	_ =	shalt  }
0x58: {  	_ =	shalt  }
0x59: {  	_ =	shalt  }
0x5a: {  	_ =	shalt  }
0x5b: {  	_ =	shalt  }
0x5c: {  	_ =	shalt  }
0x5d: {  	_ =	shalt  }
0x5e: {  	_ =	shalt  }
0x5f: {  	_ =	shalt  }
0x60: {  	_ =	shalt  }
0x61: {  	_ =	shalt  }
0x62: {  	_ =	shalt  }
0x63: {  	_ =	shalt  }
0x64: {  	_ =	shalt  }
0x65: {  	_ =	shalt  }
0x66: {  	_ =	shalt  }
0x67: {  	_ =	shalt  }
0x68: {  	_ =	shalt  }
0x69: {  	_ =	shalt  }
0x6a: {  	_ =	shalt  }
0x6b: {  	_ =	shalt  }
0x6c: {  	_ =	shalt  }
0x6d: {  	_ =	shalt  }
0x6e: {  	_ =	shalt  }
0x6f: {  	_ =	shalt  }
0x70: {  	_ =	shalt  }
0x71: {  	_ =	shalt  }
0x72: {  	_ =	shalt  }
0x73: {  	_ =	shalt  }
0x74: {  	_ =	shalt  }
0x75: {  	_ =	shalt  }
0x76: {  	_ =	shalt  }
0x77: {  	_ =	shalt  }
0x78: {  	_ =	shalt  }
0x79: {  	_ =	shalt  }
0x7a: {  	_ =	shalt  }
0x7b: {  	_ =	shalt  }
0x7c: {  	_ =	shalt  }
0x7d: {  	_ =	shalt  }
0x7e: {  	_ =	shalt  }
0x7f: {  	_ =	shalt  }
0x80: {  	_ =	shalt  }
0x81: {  	_ =	shalt  }
0x82: {  	_ =	shalt  }
0x83: {  	_ =	shalt  }
0x84: {  	_ =	shalt  }
0x85: {  	_ =	shalt  }
0x86: {  	_ =	shalt  }
0x87: {  	_ =	shalt  }
.Lfunc_end0:
.L_simem_size_0:
called_computation.1_lowered:
.L_overlay_start_0:
0x88: {  	s2 =	sld [smem:$0x3FD9]  }
0x89: {  	s3 =	sld [smem:$0x3FFE];
	_ =	sdelay $0x1  }
0x8a: {  	s1 =	srdreg.scid  }
0x8b: {  	s0 =	sand.u32 $0x1, s1  }
0x8c: {  	s17 =	sshll.u32 s0, $0xA;
	s2 =	sadd.s32 s3, s2  }
0x8d: {  	s2 =	sadd.s32 s2, s17  }
0x8e: {  	[smem:$0x3FC7] =	sst s2  }
0x8f: {  	_ = 	snop  }
0x90: {  	s2 =	sld [smem:$0x3FD0];
	(tm) =	ssettm $0x1  }
0x91: {  	s18 =	sld [smem:$0x3FFB];
	_ =	sdelay $0x3  }
0x92: {  	_ =	strace s18  }
0x93: {  	s3 =	sld [smem:$0x3FFC];
	_ =	sdelay $0x3  }
0x94: {  	_ =	strace s3  }
0x95: {  	s3 =	sld [smem:$0x3FFD];
	_ =	sdelay $0x3  }
0x96: {  	_ =	strace s3  }
0x97: {  	_ =	strace $0x8FFFFFFF  }
0x98: {  	s19 =	sld [smem:$0x3FDB];
	_ =	sdelay $0x1  }
0x99: {  	s4 =	simm.s32 $_scs_section_size  }
0x9a: {  	s5 =	simm.s32 $_size__tile_overlayer_lowered;
	s6 =	simm.s32 $_tile_overlayer_lowered  }
0x9b: {  	s22 =	simm.s32 $0x1BFF;
	s21 =	sshll.u32 s6, $0x1;
	s3 =	sadd.s32 s4, s19  }
0x9c: {  	s7 =	simm.s32 $0x0;
	s20 =	sshll.u32 s5, $0x1;
	s5 =	sadd.s32 s21, s3  }
0x9d: {  	[timem:s7], [sflag:s22] =	dma.local [hbm:s5], s20  }
0x9e: {  	_ =	swait.ge [sflag:s22], s20  }
0x9f: {  	s4 =	ssub.s32 $0x0, s20;
	[sflag:s22] =	ssyncset.done $0x0  }
0xa0: {  	[sflag:s22] =	ssyncadd.s32 s4;
	_ =	sdelay $0x1  }
0xa1: {  	s23 =	simm.s32 $0x1B8B  }
0xa2: {  	_ =	swait.ge [sflag:s23], $0x1  }
0xa3: {  	[sflag:s23] =	ssyncset.done $0x0  }
0xa4: {  	s25 =	simm.s32 $0x1B8E;
	s24 =	sld [smem:$0x3FFE];
	[sflag:s23] =	ssyncadd.s32 $0xFFFFFFFF  }
0xa5: {  	s26 =	simm.s32 $execute0_lowered;
	[smem:$0x3FD2] =	sst s25  }
0xa6: {  	s5 =	sshll.u32 s26, $0x1;
	_ =	strace $0x80000049;
	[dreg:$0x1] =	wrdreg $0xFFFFFFFF  }
0xa7: {  	s28 =	simm.s32 $_size_execute0_lowered;
	s3 =	sadd.s32 s3, s5;
	[dreg:$0x0] =	wrdreg $0x0  }
0xa8: {  	s5 =	sshll.u32 s28, $0x1;
	[dreg:$0x2] =	wrdreg s3  }
0xa9: {  	[dreg:$0x3] =	wrdreg s5  }
0xaa: {  	[dreg:$0x4] =	wrdreg $0xC0  }
0xab: {  	_ =	task [dreg:s7], $0x5FFFF  }
0xac: {  	[dreg:$0x1] =	wrdreg $0xFFFFFFFF  }
0xad: {  	[dreg:$0x0] =	wrdreg $0x60  }
0xae: {  	[dreg:$0x2] =	wrdreg s24  }
0xaf: {  	[dreg:$0x3] =	wrdreg s2  }
0xb0: {  	[dreg:$0x4] =	wrdreg $0x9  }
0xb1: {  	_ =	task.clear_ibuf [dreg:s7], $0x5FFFF;
	_ =	strace $0x90000049  }
0xb2: {  	s29 =	simm.s32 $0x9;
	_ =	strace $0x8000004B  }
0xb3: {  	_ =	swait.ge [sflag:s29], $0x1  }
0xb4: {  	[sflag:s29] =	ssyncadd.s32 $0xFFFFFFFF  }
0xb5: {  	_ =	strace $0x9000004B  }
0xb6: {  	_ =	sfence  }
0xb7: {  	s30 =	sld [smem:$0x0];
	_ =	sdelay $0x2  }
0xb8: {  	s31 =	sshll.u32 s1, $0xD;
	s1 =	sshrl.u32 s1, $0x2  }
0xb9: {  	s3 =	sand.u32 $0x4000, s31;
	s1 =	sadd.s32 s1, s30  }
0xba: {  	s0 =	sor.u32 s3, s0;
	s1 =	sshll.u32 s1, $0x11  }
0xbb: {  	s0 =	sor.u32 s1, s0  }
0xbc: {  	s0 =	sadd.s32 $0x8F2B, s0  }
0xbd: {  	[sflag:s0] =	ssyncadd.remote.s32 $0x1  }
0xbe: {  	_ =	sfence.sel $0xFFFF  }
0xbf: {  	[dreg:$0x0] =	wrdreg $0xFFFFFFFF;
	(pc) =	sbr.abs _section_cstart, $3  }
0xc0: {  	[dreg:$0x1] =	wrdreg $0xFFFFFFFF  }
0xc1: {  	_ =	task.clear_ibuf [dreg:s7], $0x2FFFF;
	_ =	strace $0x9FFFFFFF  }
0xc2: {  	(tm) =	ssettm $0x7FFFFFFF  }
0xc3: {  	_ =	shalt  }
tec
execute0_lowered:
.L_overlay_start_1:
0x0: {  	(tag) =	ssettag $0x1  }
0x1: {  	s0 =	srdreg.scid  }
0x2: {  	s3 =	sand.u32 $0x1, s0;
	s0 =	stileid.u32  }
0x3: {  	s5 =	sshll.u32 s0, $0x1;
	s6 =	ssub.s32 $0x0, s3  }
0x4: {  	p0 =	sne.s32 s5, s6  }
.Ltmp0:
0x5: {  	_ = 	snop;
	(pc) =	sbr.rel @p0 .LBB2_5-.Ltmp0, $4  }
0x6: {  	_ = 	snop  }
0x7: {  	s4 =	rddreg [dreg:$0x0]  }
0x8: {  	s2 =	rddreg [dreg:$0x1]  }
0x9: {  	s1 =	rddreg [dreg:$0x2];
	_ =	strace $0x8000004A  }
0xa: {  	s5 =	ssub.s32 $0x2, s3;
	s3 =	sadd.s32 $0xC00, s4  }
0xb: {  	s4 =	sadd.s32 $0xE00, s4;
	s7 =	simm.s32 $0x1;
	s6 =	sshrl.u32 s5, $0x1  }
0xc: {  	s8 =	simm.s32 $0x1000;
	s9 =	simm.s32 $0x2000;
	s5 =	ssub.s32 s5, s6  }
0xd: {  	s10 =	simm.s32 $0x0;
	s6 =	simm.s32 $0x0;
	s5 =	smax.u32 s5, $0x1  }
.LBB2_2:
0xe: {  	[tilespmem:s6], [sflag:$0x1] =	stream.linear.gather [hbm4b:s3+s6], $0x1000, $0x38;
	[tilespmem:$0x2080] =	vst v63  }
0xf: {  	_ =	swait.ge [sflag:s7], $0x1000  }
0x10: {  	[sflag:s7] =	ssyncset.done $0x0  }
0x11: {  	[sflag:s7] =	ssyncadd.s32 $0xFFFFF000  }
0x12: {  	[tilespmem:s8], [sflag:$0x1] =	stream.linear.gather [hbm4b:s4+s6], $0x1000, $0x38;
	[tilespmem:$0x2080] =	vst v63  }
0x13: {  	_ =	swait.ge [sflag:s7], $0x1000  }
0x14: {  	[sflag:s7] =	ssyncset.done $0x0  }
0x15: {  	[sflag:s7] =	ssyncadd.s32 $0xFFFFF000  }
0x16: {  	v1 =	vld [tilespmem:$0x0]  }
0x17: {  	s12 =	simm.s32 $0x80;
	v0 =	vld [tilespmem:$0x1000]  }
0x18: {  	v3 =	vld [tilespmem:s12+$0x0]  }
0x19: {  	s11 =	simm.s32 $0x400;
	v2 =	vld [tilespmem:s12+$0x1000]  }
.LBB2_3:
0x1a: {  	p0 =	sne.s32 s11, $0x3E00  }
.Ltmp1:
0x1b: {  	_ = 	snop;
	(pc) =	sbr.rel @p0 .LBB2_3-.Ltmp1, $4  }
0x1c: {  	_ = 	snop  }
0x1d: {  	s12 =	sshra.s32 s11, $0x2;
	s11 =	sadd.s32 $0x200, s11;
	vm0 =	vlt.f32 v3, v1  }
0x1e: {  	v1 =	vsel vm0, v3, v1;
	v3 =	vld [tilespmem:s12+$0x0];
	v0 =	vsel vm0, v2, v0  }
0x1f: {  	v2 =	vld [tilespmem:s12+$0x1000]  }
0x20: {  	_ =	sdelay $0x2  }
0x21: {  	vm0 =	vlt.f32 v3, v1  }
0x22: {  	v1 =	vsel vm0, v3, v1  }
0x23: {  	(xrf0) =	vmin.scan.msk.f32 $0xffff, v1;
	_ =	sdelay $0x5  }
0x24: {  	v62, _, _ =	vpop (xrf0)  }
0x25: {  	v3 =	vbroadcast v62, $0xF  }
0x26: {  	v0 =	vsel vm0, v2, v0  }
0x27: {  	v0 =	vxor.u32 $0x80000000, v0;
	vm15 =	veq.f32 v1, v3  }
0x28: {  	v0 =	vnsel vm15, $0xFFFFFFFF, v0  }
0x29: {  	(xrf0) =	vmin.scan.msk.u32 $0xffff, v0;
	_ =	sdelay $0x5  }
0x2a: {  	v0, _, _ =	vpop (xrf0)  }
0x2b: {  	(v2sf) =	vpush v0, $0xF;
	_ =	sdelay $0xe  }
0x2c: {  	s11 =	spop (v2sf)  }
0x2d: {  	s10 =	sadd.s32 $0x1, s10;
	s11 =	sshllo.u32 s11, $0x1  }
0x2e: {  	p0 =	sne.s32 s10, s5;
	v63 =	vmov s11  }
.Ltmp2:
0x2f: {  	[tilespmem:$0x2000] =	vst v63;
	(pc) =	sbr.rel @p0 .LBB2_2-.Ltmp2, $4  }
0x30: {  	[hbm4b:s2+s6] =	stream.linear.scatter [tilespmem:s9], [sflag:$0x1], $0x80, $0x38;
	[tilespmem:$0x2080] =	vst v63  }
0x31: {  	_ =	swait.ge [sflag:s7], $0x80  }
0x32: {  	[sflag:s7] =	ssyncset.done $0x0  }
0x33: {  	[sflag:s7] =	ssyncadd.s32 $0xFFFFFF80  }
.LBB2_5:
0x34: {  	_ =	sfence.sel $0x180000  }
0x35: {  	[bflag:$0x0] =	sbarrier.arrive $0xFFFF  }
0x36: {  	p0 =	sne.s32 s0, $0x0;
	_ =	strace $0x9000004A  }
0x37: {  	s0 =	sadd.s32 @!p0 $0x100000, s1;
	[bflag:$0x2] =	sbarrier.arrive $0xFFFF  }
0x38: {  	[sflag:s0] =	ssyncadd.tile.s32 @!p0 $0x1;
	_ =	shalt  }
.Lfunc_end2:
_tile_overlayer_lowered:
.L_overlay_start_2:
0x39: {  	(tag) =	ssettag $0x2  }
0x3a: {  	s0 =	rddreg [dreg:$0x0];
	s2 =	stileid.u32  }
0x3b: {  	s1 =	rddreg [dreg:$0x1];
	p0 =	sne.s32 s2, $0x0  }
0x3c: {  	s3 =	rddreg [dreg:$0x2];
	[bflag:$0x3] =	sbarrier.arrive $0xFFFF;
	s2 =	simm.s32 @!p0 $0x1C01  }
0x3d: {  	[timem:s3], [sflag:s2] =	dma.local @!p0 [hbm:s0], s1  }
0x3e: {  	s0 =	simm.s32 @!p0 $0x1  }
0x3f: {  	_ =	swait.ge @!p0 [sflag:s0], s1  }
0x40: {  	s1 =	ssub.s32 @!p0 $0x0, s1;
	[sflag:s0] =	ssyncset.done @!p0 $0x0  }
0x41: {  	[sflag:s0] =	ssyncadd.s32 @!p0 s1  }
0x42: {  	[bflag:$0x3] =	sbarrier.arrive $0xFFFF  }
0x43: {  	_ =	shalt  }

</sc_bundles>
